<compile_context>
chip_gen: v7x
topology: tpu7x:2x2x1
jax: 0.10.2.dev20260603
libtpu: 0.0.44.dev20260713+nightly
codegen_flags: <defaults>
</compile_context>

<pallas_src>
import functools

import jax
import jax.numpy as jnp
from jax import lax
from jax.experimental import pallas as pl
from jax.experimental.pallas import tpu as pltpu
from jax.experimental.pallas import tpu_sc as plsc

NUM_BUCKETS = 100000
MODEL_DIM = 2048
INNER_DIM = 128
MULT_PREV = 36313
MULT_CUR = 27191

_NC = 2
_NS = 16
_NW = _NC * _NS


def _gather_sc(ids, prev, emb_weight):
    n = ids.shape[0]
    per_w = n // _NW
    n_vec = per_w // 16
    n_dma = per_w // 128

    mesh = plsc.VectorSubcoreMesh(core_axis_name="c", subcore_axis_name="s")

    @functools.partial(
        pl.kernel,
        mesh=mesh,
        out_type=jax.ShapeDtypeStruct((n, INNER_DIM), jnp.float32),
        scratch_types=[
            pltpu.VMEM((per_w,), jnp.int32),
            pltpu.VMEM((per_w,), jnp.int32),
            pltpu.VMEM((per_w,), jnp.int32),
            pltpu.VMEM((per_w, INNER_DIM), jnp.float32),
            pltpu.SemaphoreType.DMA,
            pltpu.SemaphoreType.DMA,
        ],
    )
    def gather_kernel(ids_hbm, prev_hbm, table_hbm, out_hbm, ids_v, prev_v, idx_v, rows_v, sem, wsem):
        wid = lax.axis_index("s") * _NC + lax.axis_index("c")
        base = wid * per_w
        pltpu.sync_copy(ids_hbm.at[pl.ds(base, per_w)], ids_v)
        pltpu.sync_copy(prev_hbm.at[pl.ds(base, per_w)], prev_v)

        @pl.loop(jnp.int32(0), jnp.int32(n_vec))
        def hash_body(i):
            off = i * jnp.int32(16)
            c = ids_v[pl.ds(off, 16)].astype(jnp.uint32)
            p = prev_v[pl.ds(off, 16)].astype(jnp.uint32)
            s = p * jnp.uint32(MULT_PREV) + c * jnp.uint32(MULT_CUR)
            q = (s.astype(jnp.float32) * jnp.float32(1.0 / NUM_BUCKETS)).astype(jnp.uint32)
            r = s - q * jnp.uint32(NUM_BUCKETS)
            r = jnp.where(r > jnp.uint32(3_000_000_000), r + jnp.uint32(NUM_BUCKETS), r)
            r = jnp.where(r >= jnp.uint32(NUM_BUCKETS), r - jnp.uint32(NUM_BUCKETS), r)
            idx_v[pl.ds(off, 16)] = r.astype(jnp.int32)

        gathers = [
            pltpu.async_copy(
                table_hbm.at[idx_v.at[pl.ds(j * 128, 128)]],
                rows_v.at[pl.ds(j * 128, 128)],
                sem,
            )
            for j in range(n_dma)
        ]
        writes = []
        for j in range(n_dma):
            gathers[j].wait()
            writes.append(
                pltpu.async_copy(
                    rows_v.at[pl.ds(j * 128, 128)],
                    out_hbm.at[pl.ds(base + j * 128, 128)],
                    wsem,
                )
            )
        for wr in writes:
            wr.wait()

    return gather_kernel(ids, prev, emb_weight)


def _matmul_tc(e, proj_weight, block_m=1024, nbuf=3):
    n = e.shape[0]
    nblk = n // block_m

    def mm_body(e_ref, w_ref, out_hbm, bufs, sems):
        i = pl.program_id(0)
        slot = lax.rem(i, jnp.int32(nbuf))

        @pl.when(i >= nbuf)
        def _wait_prev():
            pltpu.make_async_copy(
                bufs.at[slot],
                out_hbm.at[pl.ds((i - nbuf) * block_m, block_m)],
                sems.at[slot],
            ).wait()

        n_sub = 4
        sub_m = block_m // n_sub
        for sub in range(n_sub):
            bufs[slot, pl.ds(sub * sub_m, sub_m)] = lax.dot_general(
                e_ref[pl.ds(sub * sub_m, sub_m), :].astype(jnp.bfloat16),
                w_ref[...],
                (((1,), (0,)), ((), ())),
                preferred_element_type=jnp.float32,
            )
            pltpu.make_async_copy(
                bufs.at[slot].at[pl.ds(sub * sub_m, sub_m)],
                out_hbm.at[pl.ds(i * block_m + sub * sub_m, sub_m)],
                sems.at[slot],
            ).start()

        @pl.when(i == nblk - 1)
        def _drain():
            for k in range(min(nbuf, nblk)):
                idx = nblk - 1 - k
                pltpu.make_async_copy(
                    bufs.at[lax.rem(jnp.int32(idx), jnp.int32(nbuf))],
                    out_hbm.at[pl.ds(idx * block_m, block_m)],
                    sems.at[lax.rem(jnp.int32(idx), jnp.int32(nbuf))],
                ).wait()

    return pl.pallas_call(
        mm_body,
        grid=(nblk,),
        in_specs=[
            pl.BlockSpec((block_m, INNER_DIM), lambda i: (i, jnp.int32(0))),
            pl.BlockSpec((INNER_DIM, MODEL_DIM), lambda i: (jnp.int32(0), jnp.int32(0))),
        ],
        out_specs=pl.BlockSpec(memory_space=pl.ANY),
        out_shape=jax.ShapeDtypeStruct((n, MODEL_DIM), jnp.float32),
        scratch_shapes=[
            pltpu.VMEM((nbuf, block_m, MODEL_DIM), jnp.float32),
            pltpu.SemaphoreType.DMA((nbuf,)),
        ],
    )(e, proj_weight.T.astype(jnp.bfloat16))


def kernel(input_ids, emb_weight, proj_weight):
    b, s = input_ids.shape
    n = b * s
    ids32 = input_ids.astype(jnp.int32)
    prev32 = jnp.pad(ids32[:, :-1], ((0, 0), (1, 0)))
    ids_flat = ids32.reshape(-1)
    prev_flat = prev32.reshape(-1)
    e = _gather_sc(ids_flat, prev_flat, emb_weight)
    out = _matmul_tc(e, proj_weight)
    return out.reshape(b, s, MODEL_DIM)

# --- scband reference (transcript-rebuilt; emitter-appended) ---
"""Pipeline reference for scband-bigram-hash-48206712930399 (READ-ONLY COPY).

The authoritative reference and input builder live on the scoring server;
editing this copy changes nothing except your own understanding.
"""

import jax, jax.numpy as jnp
import numpy as np

jax.config.update("jax_enable_x64", True)

NUM_BUCKETS = 100000
MODEL_DIM = 2048
INNER_DIM = 128
BATCH = 4
SEQ = 4096
VOCAB = 50257


def setup_inputs(seed: int = 0) -> dict:
    key = jax.random.key(seed)
    k1, k2, k3 = jax.random.split(key, 3)
    input_ids = jax.random.randint(k1, (BATCH, SEQ), 0, VOCAB, dtype=jnp.int64)
    # nn.Embedding weight initialized with std=0.005
    emb_weight = jax.random.normal(k2, (NUM_BUCKETS, INNER_DIM), dtype=jnp.float32) * 0.005
    # nn.Linear default init ~ U(-1/sqrt(fan_in), 1/sqrt(fan_in)); normal approx is fine for a reference
    bound = 1.0 / np.sqrt(INNER_DIM)
    proj_weight = jax.random.uniform(k3, (MODEL_DIM, INNER_DIM), dtype=jnp.float32, minval=-bound, maxval=bound)
    return {"input_ids": input_ids, "emb_weight": emb_weight, "proj_weight": proj_weight}


def reference(input_ids, emb_weight, proj_weight):
    # prev = F.pad(input_ids[:, :-1], (1, 0), value=0)
    prev = jnp.pad(input_ids[:, :-1], ((0, 0), (1, 0)), constant_values=0)
    idx = (prev * 36313 + input_ids * 27191) % NUM_BUCKETS
    # embedding gather -> SparseCore-friendly jnp.take
    e = jnp.take(emb_weight, idx, axis=0)  # [B, S, INNER_DIM]
    # CastedLinear: w cast to input dtype (both float32 here), no bias
    out = e @ proj_weight.T  # [B, S, MODEL_DIM]
    return out

if __name__ == "__main__":
    import jax
    _d = setup_inputs()
    print(jax.jit(kernel)(*tuple(_d.values())))

</pallas_src>

<mosaic_0001>
#map = affine_map<(d0, d1) -> (0)>
#map1 = affine_map<(d0, d1) -> (0, 0)>
module attributes {stable_mosaic.version = 14 : i64} {
  func.func @gather_kernel(%arg0: i32, %arg1: i32, %arg2: memref<16384xi32, #tpu.memory_space<hbm>>, %arg3: memref<16384xi32, #tpu.memory_space<hbm>>, %arg4: memref<100000x128xf32, #tpu.memory_space<hbm>>, %arg5: memref<16384x128xf32, #tpu.memory_space<hbm>>, %arg6: memref<512xi32, #tpu.memory_space<vmem>>, %arg7: memref<512xi32, #tpu.memory_space<vmem>>, %arg8: memref<512xi32, #tpu.memory_space<vmem>>, %arg9: memref<512x128xf32, #tpu.memory_space<vmem>>, %arg10: memref<!tpu.dma_semaphore, #tpu.memory_space<semaphore_mem>>, %arg11: memref<!tpu.dma_semaphore, #tpu.memory_space<semaphore_mem>>) attributes {dimension_semantics = [#tpu.dimension_semantics<core_parallel>, #tpu.dimension_semantics<subcore_parallel>], iteration_bounds = array<i64: 2, 16>, scalar_prefetch = 0 : i64, scratch_operands = 6 : i64, tpu.core_type = #tpu.core_type<sc_vector_subcore>, window_params = [{transform_indices = #map}, {transform_indices = #map}, {transform_indices = #map1}, {transform_indices = #map1}]} {
    %mul3A = arith.constant 2 : i32
    %mul3A_0 = arith.muli %arg1, %mul3A : i32
    %add3A = arith.addi %mul3A_0, %arg0 : i32
    %mul3A_1 = arith.constant 512 : i32
    %mul3A_2 = arith.muli %add3A, %mul3A_1 : i32
    "tpu.region"() ({
      %run_scoped3A = tpu.sem_alloc : memref<!tpu.dma_semaphore, #tpu.memory_space<semaphore_mem>>
      %dma_start3A_170 = tpu.memref_slice %arg2[%mul3A_2] : memref<16384xi32, #tpu.memory_space<hbm>> -> memref<512xi32, #tpu.memory_space<hbm>>
      %dma_start3A_171 = tpu.memref_slice %arg2[%mul3A_2] : memref<16384xi32, #tpu.memory_space<hbm>> -> memref<512xi32, #tpu.memory_space<hbm>>
      tpu.enqueue_dma source(%dma_start3A_171 : memref<512xi32, #tpu.memory_space<hbm>>) target(%arg6 : memref<512xi32, #tpu.memory_space<vmem>>) target_semaphore(%run_scoped3A : memref<!tpu.dma_semaphore, #tpu.memory_space<semaphore_mem>>)
      %dma_wait3A_172 = tpu.memref_slice %arg2[%mul3A_2] : memref<16384xi32, #tpu.memory_space<hbm>> -> memref<512xi32, #tpu.memory_space<hbm>>
      %dma_wait3A_173 = tpu.memref_slice %arg2[%mul3A_2] : memref<16384xi32, #tpu.memory_space<hbm>> -> memref<512xi32, #tpu.memory_space<hbm>>
      tpu.wait_dma2 semaphore(%run_scoped3A : memref<!tpu.dma_semaphore, #tpu.memory_space<semaphore_mem>>) src(%dma_wait3A_173 : memref<512xi32, #tpu.memory_space<hbm>>) dst(%arg6 : memref<512xi32, #tpu.memory_space<vmem>>)
      tpu.yield
    }) : () -> ()
    "tpu.region"() ({
      %run_scoped3A = tpu.sem_alloc : memref<!tpu.dma_semaphore, #tpu.memory_space<semaphore_mem>>
      %dma_start3A_170 = tpu.memref_slice %arg3[%mul3A_2] : memref<16384xi32, #tpu.memory_space<hbm>> -> memref<512xi32, #tpu.memory_space<hbm>>
      %dma_start3A_171 = tpu.memref_slice %arg3[%mul3A_2] : memref<16384xi32, #tpu.memory_space<hbm>> -> memref<512xi32, #tpu.memory_space<hbm>>
      tpu.enqueue_dma source(%dma_start3A_171 : memref<512xi32, #tpu.memory_space<hbm>>) target(%arg7 : memref<512xi32, #tpu.memory_space<vmem>>) target_semaphore(%run_scoped3A : memref<!tpu.dma_semaphore, #tpu.memory_space<semaphore_mem>>)
      %dma_wait3A_172 = tpu.memref_slice %arg3[%mul3A_2] : memref<16384xi32, #tpu.memory_space<hbm>> -> memref<512xi32, #tpu.memory_space<hbm>>
      %dma_wait3A_173 = tpu.memref_slice %arg3[%mul3A_2] : memref<16384xi32, #tpu.memory_space<hbm>> -> memref<512xi32, #tpu.memory_space<hbm>>
      tpu.wait_dma2 semaphore(%run_scoped3A : memref<!tpu.dma_semaphore, #tpu.memory_space<semaphore_mem>>) src(%dma_wait3A_173 : memref<512xi32, #tpu.memory_space<hbm>>) dst(%arg7 : memref<512xi32, #tpu.memory_space<vmem>>)
      tpu.yield
    }) : () -> ()
    %sub3A = arith.constant 32 : i32
    %sub3A_3 = arith.constant 0 : i32
    %sub3A_4 = arith.subi %sub3A, %sub3A_3 : i32
    %sub3A_5 = arith.constant 1 : i32
    %sub3A_6 = arith.constant 1 : i32
    %sub3A_7 = arith.subi %sub3A_5, %sub3A_6 : i32
    %add3A_8 = arith.addi %sub3A_4, %sub3A_7 : i32
    %div3A = arith.constant 1 : i32
    %div3A_9 = arith.divsi %add3A_8, %div3A : i32
    %while3A = arith.constant 1 : i32
    %while3A_10 = arith.constant 0 : i32
    %while3A_11 = arith.constant 0 : i32
    %while3A_12 = arith.subi %div3A_9, %while3A_11 : i32
    %while3A_13 = arith.addi %while3A_11, %while3A_12 : i32
    %while3A_14 = arith.constant 1 : i32
    %while3A_15 = arith.divsi %while3A_12, %while3A_14 : i32
    %while3A_16 = arith.muli %while3A_15, %while3A_14 : i32
    %while3A_17 = arith.addi %while3A_11, %while3A_16 : i32
    %while3A_18 = arith.constant 1 : i32
    scf.for %while3A_170 = %while3A_11 to %while3A_17 step %while3A_18  : i32 {
      %mul3A_171 = arith.muli %while3A_170, %while3A : i32
      %add3A_172 = arith.addi %while3A_10, %mul3A_171 : i32
      %mul3A_173 = arith.constant 16 : i32
      %mul3A_174 = arith.muli %add3A_172, %mul3A_173 : i32
      %get3A = arith.index_cast %mul3A_174 : i32 to index
      %get3A_175 = tpu.vector_load %arg6[%get3A] {strides = array<i32>} : memref<512xi32, #tpu.memory_space<vmem>>, vector<16xi32>,
      %get3A_176 = vector.shape_cast %get3A_175 : vector<16xi32> to vector<16xi32>
      %get3A_177 = arith.index_cast %mul3A_174 : i32 to index
      %get3A_178 = tpu.vector_load %arg7[%get3A_177] {strides = array<i32>} : memref<512xi32, #tpu.memory_space<vmem>>, vector<16xi32>,
      %get3A_179 = vector.shape_cast %get3A_178 : vector<16xi32> to vector<16xi32>
      %mul3A_180 = arith.constant 36313 : i32
      %mul3A_181 = vector.broadcast %mul3A_180 : i32 to vector<16xi32>
      %mul3A_182 = arith.muli %get3A_179, %mul3A_181 : vector<16xi32>
      %mul3A_183 = arith.constant 27191 : i32
      %mul3A_184 = vector.broadcast %mul3A_183 : i32 to vector<16xi32>
      %mul3A_185 = arith.muli %get3A_176, %mul3A_184 : vector<16xi32>
      %add3A_186 = arith.addi %mul3A_182, %mul3A_185 : vector<16xi32>
      %convert_element_type3A = arith.uitofp %add3A_186 : vector<16xi32> to vector<16xf32>
      %mul3A_187 = arith.constant 9.99999974E-6 : f32
      %mul3A_188 = vector.broadcast %mul3A_187 : f32 to vector<16xf32>
      %mul3A_189 = arith.mulf %convert_element_type3A, %mul3A_188 : vector<16xf32>
      %convert_element_type3A_190 = arith.fptoui %mul3A_189 : vector<16xf32> to vector<16xi32>
      %mul3A_191 = arith.constant 100000 : i32
      %mul3A_192 = vector.broadcast %mul3A_191 : i32 to vector<16xi32>
      %mul3A_193 = arith.muli %convert_element_type3A_190, %mul3A_192 : vector<16xi32>
      %sub3A_194 = arith.subi %add3A_186, %mul3A_193 : vector<16xi32>
      %gt3A = arith.constant -1294967296 : i32
      %gt3A_195 = vector.broadcast %gt3A : i32 to vector<16xi32>
      %gt3A_196 = arith.cmpi ugt, %sub3A_194, %gt3A_195 : vector<16xi32>
      %add3A_197 = arith.constant 100000 : i32
      %add3A_198 = vector.broadcast %add3A_197 : i32 to vector<16xi32>
      %add3A_199 = arith.addi %sub3A_194, %add3A_198 : vector<16xi32>
      %select_n3A = arith.select %gt3A_196, %add3A_199, %sub3A_194 : vector<16xi1>, vector<16xi32>
      %ge3A = arith.constant 100000 : i32
      %ge3A_200 = vector.broadcast %ge3A : i32 to vector<16xi32>
      %ge3A_201 = arith.cmpi uge, %select_n3A, %ge3A_200 : vector<16xi32>
      %sub3A_202 = arith.constant 100000 : i32
      %sub3A_203 = vector.broadcast %sub3A_202 : i32 to vector<16xi32>
      %sub3A_204 = arith.subi %select_n3A, %sub3A_203 : vector<16xi32>
      %select_n3A_205 = arith.select %ge3A_201, %sub3A_204, %select_n3A : vector<16xi1>, vector<16xi32>
      %swap3A = arith.index_cast %mul3A_174 : i32 to index
      %swap3A_206 = tpu.vector_load %arg8[%swap3A] {strides = array<i32>} : memref<512xi32, #tpu.memory_space<vmem>>, vector<16xi32>,
      %swap3A_207 = vector.shape_cast %swap3A_206 : vector<16xi32> to vector<16xi32>
      %swap3A_208 = vector.shape_cast %select_n3A_205 : vector<16xi32> to vector<16xi32>
      tpu.vector_store %arg8[%swap3A], %swap3A_208 {strides = array<i32>} : memref<512xi32, #tpu.memory_space<vmem>>, vector<16xi32>,
    }
    %while3A_19 = arith.constant 1 : i32
    scf.for %while3A_170 = %while3A_17 to %while3A_13 step %while3A_19  : i32 {
      %mul3A_171 = arith.muli %while3A_170, %while3A : i32
      %add3A_172 = arith.addi %while3A_10, %mul3A_171 : i32
      %mul3A_173 = arith.constant 16 : i32
      %mul3A_174 = arith.muli %add3A_172, %mul3A_173 : i32
      %get3A = arith.index_cast %mul3A_174 : i32 to index
      %get3A_175 = tpu.vector_load %arg6[%get3A] {strides = array<i32>} : memref<512xi32, #tpu.memory_space<vmem>>, vector<16xi32>,
      %get3A_176 = vector.shape_cast %get3A_175 : vector<16xi32> to vector<16xi32>
      %get3A_177 = arith.index_cast %mul3A_174 : i32 to index
      %get3A_178 = tpu.vector_load %arg7[%get3A_177] {strides = array<i32>} : memref<512xi32, #tpu.memory_space<vmem>>, vector<16xi32>,
      %get3A_179 = vector.shape_cast %get3A_178 : vector<16xi32> to vector<16xi32>
      %mul3A_180 = arith.constant 36313 : i32
      %mul3A_181 = vector.broadcast %mul3A_180 : i32 to vector<16xi32>
      %mul3A_182 = arith.muli %get3A_179, %mul3A_181 : vector<16xi32>
      %mul3A_183 = arith.constant 27191 : i32
      %mul3A_184 = vector.broadcast %mul3A_183 : i32 to vector<16xi32>
      %mul3A_185 = arith.muli %get3A_176, %mul3A_184 : vector<16xi32>
      %add3A_186 = arith.addi %mul3A_182, %mul3A_185 : vector<16xi32>
      %convert_element_type3A = arith.uitofp %add3A_186 : vector<16xi32> to vector<16xf32>
      %mul3A_187 = arith.constant 9.99999974E-6 : f32
      %mul3A_188 = vector.broadcast %mul3A_187 : f32 to vector<16xf32>
      %mul3A_189 = arith.mulf %convert_element_type3A, %mul3A_188 : vector<16xf32>
      %convert_element_type3A_190 = arith.fptoui %mul3A_189 : vector<16xf32> to vector<16xi32>
      %mul3A_191 = arith.constant 100000 : i32
      %mul3A_192 = vector.broadcast %mul3A_191 : i32 to vector<16xi32>
      %mul3A_193 = arith.muli %convert_element_type3A_190, %mul3A_192 : vector<16xi32>
      %sub3A_194 = arith.subi %add3A_186, %mul3A_193 : vector<16xi32>
      %gt3A = arith.constant -1294967296 : i32
      %gt3A_195 = vector.broadcast %gt3A : i32 to vector<16xi32>
      %gt3A_196 = arith.cmpi ugt, %sub3A_194, %gt3A_195 : vector<16xi32>
      %add3A_197 = arith.constant 100000 : i32
      %add3A_198 = vector.broadcast %add3A_197 : i32 to vector<16xi32>
      %add3A_199 = arith.addi %sub3A_194, %add3A_198 : vector<16xi32>
      %select_n3A = arith.select %gt3A_196, %add3A_199, %sub3A_194 : vector<16xi1>, vector<16xi32>
      %ge3A = arith.constant 100000 : i32
      %ge3A_200 = vector.broadcast %ge3A : i32 to vector<16xi32>
      %ge3A_201 = arith.cmpi uge, %select_n3A, %ge3A_200 : vector<16xi32>
      %sub3A_202 = arith.constant 100000 : i32
      %sub3A_203 = vector.broadcast %sub3A_202 : i32 to vector<16xi32>
      %sub3A_204 = arith.subi %select_n3A, %sub3A_203 : vector<16xi32>
      %select_n3A_205 = arith.select %ge3A_201, %sub3A_204, %select_n3A : vector<16xi1>, vector<16xi32>
      %swap3A = arith.index_cast %mul3A_174 : i32 to index
      %swap3A_206 = tpu.vector_load %arg8[%swap3A] {strides = array<i32>} : memref<512xi32, #tpu.memory_space<vmem>>, vector<16xi32>,
      %swap3A_207 = vector.shape_cast %swap3A_206 : vector<16xi32> to vector<16xi32>
      %swap3A_208 = vector.shape_cast %select_n3A_205 : vector<16xi32> to vector<16xi32>
      tpu.vector_store %arg8[%swap3A], %swap3A_208 {strides = array<i32>} : memref<512xi32, #tpu.memory_space<vmem>>, vector<16xi32>,
    }
    %dma_start3A = arith.constant 0 : i32
    %dma_start3A_20 = arith.constant 0 : i32
    %dma_start3A_21 = tpu.memref_slice %arg9[%dma_start3A, %dma_start3A_20] : memref<512x128xf32, #tpu.memory_space<vmem>> -> memref<128x128xf32, #tpu.memory_space<vmem>>
    %dma_start3A_22 = arith.constant 0 : i32
    %dma_start3A_23 = tpu.memref_slice %arg8[%dma_start3A_22] : memref<512xi32, #tpu.memory_space<vmem>> -> memref<128xi32, #tpu.memory_space<vmem>>
    %dma_start3A_24 = arith.constant 0 : i32
    %dma_start3A_25 = arith.constant 0 : i32
    %dma_start3A_26 = tpu.memref_slice %arg4[%dma_start3A_24, %dma_start3A_25] : memref<100000x128xf32, #tpu.memory_space<hbm>> -> memref<100000x128xf32, #tpu.memory_space<hbm>>
    tpu.enqueue_indirect_dma source(%dma_start3A_26 : memref<100000x128xf32, #tpu.memory_space<hbm>>) target(%dma_start3A_21 : memref<128x128xf32, #tpu.memory_space<vmem>>) offsets(%dma_start3A_23 : memref<128xi32, #tpu.memory_space<vmem>>) semaphore(%arg10 : memref<!tpu.dma_semaphore, #tpu.memory_space<semaphore_mem>>)
    %dma_start3A_27 = arith.constant 128 : i32
    %dma_start3A_28 = arith.constant 0 : i32
    %dma_start3A_29 = tpu.memref_slice %arg9[%dma_start3A_27, %dma_start3A_28] : memref<512x128xf32, #tpu.memory_space<vmem>> -> memref<128x128xf32, #tpu.memory_space<vmem>>
    %dma_start3A_30 = arith.constant 128 : i32
    %dma_start3A_31 = tpu.memref_slice %arg8[%dma_start3A_30] : memref<512xi32, #tpu.memory_space<vmem>> -> memref<128xi32, #tpu.memory_space<vmem>>
    %dma_start3A_32 = arith.constant 0 : i32
    %dma_start3A_33 = arith.constant 0 : i32
    %dma_start3A_34 = tpu.memref_slice %arg4[%dma_start3A_32, %dma_start3A_33] : memref<100000x128xf32, #tpu.memory_space<hbm>> -> memref<100000x128xf32, #tpu.memory_space<hbm>>
    tpu.enqueue_indirect_dma source(%dma_start3A_34 : memref<100000x128xf32, #tpu.memory_space<hbm>>) target(%dma_start3A_29 : memref<128x128xf32, #tpu.memory_space<vmem>>) offsets(%dma_start3A_31 : memref<128xi32, #tpu.memory_space<vmem>>) semaphore(%arg10 : memref<!tpu.dma_semaphore, #tpu.memory_space<semaphore_mem>>)
    %dma_start3A_35 = arith.constant 256 : i32
    %dma_start3A_36 = arith.constant 0 : i32
    %dma_start3A_37 = tpu.memref_slice %arg9[%dma_start3A_35, %dma_start3A_36] : memref<512x128xf32, #tpu.memory_space<vmem>> -> memref<128x128xf32, #tpu.memory_space<vmem>>
    %dma_start3A_38 = arith.constant 256 : i32
    %dma_start3A_39 = tpu.memref_slice %arg8[%dma_start3A_38] : memref<512xi32, #tpu.memory_space<vmem>> -> memref<128xi32, #tpu.memory_space<vmem>>
    %dma_start3A_40 = arith.constant 0 : i32
    %dma_start3A_41 = arith.constant 0 : i32
    %dma_start3A_42 = tpu.memref_slice %arg4[%dma_start3A_40, %dma_start3A_41] : memref<100000x128xf32, #tpu.memory_space<hbm>> -> memref<100000x128xf32, #tpu.memory_space<hbm>>
    tpu.enqueue_indirect_dma source(%dma_start3A_42 : memref<100000x128xf32, #tpu.memory_space<hbm>>) target(%dma_start3A_37 : memref<128x128xf32, #tpu.memory_space<vmem>>) offsets(%dma_start3A_39 : memref<128xi32, #tpu.memory_space<vmem>>) semaphore(%arg10 : memref<!tpu.dma_semaphore, #tpu.memory_space<semaphore_mem>>)
    %dma_start3A_43 = arith.constant 384 : i32
    %dma_start3A_44 = arith.constant 0 : i32
    %dma_start3A_45 = tpu.memref_slice %arg9[%dma_start3A_43, %dma_start3A_44] : memref<512x128xf32, #tpu.memory_space<vmem>> -> memref<128x128xf32, #tpu.memory_space<vmem>>
    %dma_start3A_46 = arith.constant 384 : i32
    %dma_start3A_47 = tpu.memref_slice %arg8[%dma_start3A_46] : memref<512xi32, #tpu.memory_space<vmem>> -> memref<128xi32, #tpu.memory_space<vmem>>
    %dma_start3A_48 = arith.constant 0 : i32
    %dma_start3A_49 = arith.constant 0 : i32
    %dma_start3A_50 = tpu.memref_slice %arg4[%dma_start3A_48, %dma_start3A_49] : memref<100000x128xf32, #tpu.memory_space<hbm>> -> memref<100000x128xf32, #tpu.memory_space<hbm>>
    tpu.enqueue_indirect_dma source(%dma_start3A_50 : memref<100000x128xf32, #tpu.memory_space<hbm>>) target(%dma_start3A_45 : memref<128x128xf32, #tpu.memory_space<vmem>>) offsets(%dma_start3A_47 : memref<128xi32, #tpu.memory_space<vmem>>) semaphore(%arg10 : memref<!tpu.dma_semaphore, #tpu.memory_space<semaphore_mem>>)
    %dma_wait3A = arith.constant 0 : i32
    %dma_wait3A_51 = arith.constant 0 : i32
    %dma_wait3A_52 = tpu.memref_slice %arg9[%dma_wait3A, %dma_wait3A_51] : memref<512x128xf32, #tpu.memory_space<vmem>> -> memref<128x128xf32, #tpu.memory_space<vmem>>
    %dma_wait3A_53 = arith.constant 0 : i32
    %dma_wait3A_54 = tpu.memref_slice %arg8[%dma_wait3A_53] : memref<512xi32, #tpu.memory_space<vmem>> -> memref<128xi32, #tpu.memory_space<vmem>>
    %dma_wait3A_55 = arith.constant 0 : i32
    %dma_wait3A_56 = arith.constant 0 : i32
    %dma_wait3A_57 = tpu.memref_slice %arg4[%dma_wait3A_55, %dma_wait3A_56] : memref<100000x128xf32, #tpu.memory_space<hbm>> -> memref<100000x128xf32, #tpu.memory_space<hbm>>
    tpu.wait_indirect_dma semaphore(%arg10 : memref<!tpu.dma_semaphore, #tpu.memory_space<semaphore_mem>>) src(%dma_wait3A_57 : memref<100000x128xf32, #tpu.memory_space<hbm>>) dst(%dma_wait3A_52 : memref<128x128xf32, #tpu.memory_space<vmem>>)
    %add3A_58 = arith.constant 0 : i32
    %add3A_59 = arith.addi %mul3A_2, %add3A_58 : i32
    %dma_start3A_60 = arith.constant 0 : i32
    %dma_start3A_61 = arith.constant 0 : i32
    %dma_start3A_62 = tpu.memref_slice %arg9[%dma_start3A_60, %dma_start3A_61] : memref<512x128xf32, #tpu.memory_space<vmem>> -> memref<128x128xf32, #tpu.memory_space<vmem>>
    %dma_start3A_63 = arith.constant 0 : i32
    %dma_start3A_64 = tpu.memref_slice %arg5[%add3A_59, %dma_start3A_63] : memref<16384x128xf32, #tpu.memory_space<hbm>> -> memref<128x128xf32, #tpu.memory_space<hbm>>
    %dma_start3A_65 = arith.constant 0 : i32
    %dma_start3A_66 = tpu.memref_slice %arg5[%add3A_59, %dma_start3A_65] : memref<16384x128xf32, #tpu.memory_space<hbm>> -> memref<128x128xf32, #tpu.memory_space<hbm>>
    %dma_start3A_67 = arith.constant 0 : i32
    %dma_start3A_68 = arith.constant 0 : i32
    %dma_start3A_69 = tpu.memref_slice %arg9[%dma_start3A_67, %dma_start3A_68] : memref<512x128xf32, #tpu.memory_space<vmem>> -> memref<128x128xf32, #tpu.memory_space<vmem>>
    tpu.enqueue_dma source(%dma_start3A_69 : memref<128x128xf32, #tpu.memory_space<vmem>>) target(%dma_start3A_66 : memref<128x128xf32, #tpu.memory_space<hbm>>) target_semaphore(%arg11 : memref<!tpu.dma_semaphore, #tpu.memory_space<semaphore_mem>>)
    %dma_wait3A_70 = arith.constant 128 : i32
    %dma_wait3A_71 = arith.constant 0 : i32
    %dma_wait3A_72 = tpu.memref_slice %arg9[%dma_wait3A_70, %dma_wait3A_71] : memref<512x128xf32, #tpu.memory_space<vmem>> -> memref<128x128xf32, #tpu.memory_space<vmem>>
    %dma_wait3A_73 = arith.constant 128 : i32
    %dma_wait3A_74 = tpu.memref_slice %arg8[%dma_wait3A_73] : memref<512xi32, #tpu.memory_space<vmem>> -> memref<128xi32, #tpu.memory_space<vmem>>
    %dma_wait3A_75 = arith.constant 0 : i32
    %dma_wait3A_76 = arith.constant 0 : i32
    %dma_wait3A_77 = tpu.memref_slice %arg4[%dma_wait3A_75, %dma_wait3A_76] : memref<100000x128xf32, #tpu.memory_space<hbm>> -> memref<100000x128xf32, #tpu.memory_space<hbm>>
    tpu.wait_indirect_dma semaphore(%arg10 : memref<!tpu.dma_semaphore, #tpu.memory_space<semaphore_mem>>) src(%dma_wait3A_77 : memref<100000x128xf32, #tpu.memory_space<hbm>>) dst(%dma_wait3A_72 : memref<128x128xf32, #tpu.memory_space<vmem>>)
    %add3A_78 = arith.constant 128 : i32
    %add3A_79 = arith.addi %mul3A_2, %add3A_78 : i32
    %dma_start3A_80 = arith.constant 128 : i32
    %dma_start3A_81 = arith.constant 0 : i32
    %dma_start3A_82 = tpu.memref_slice %arg9[%dma_start3A_80, %dma_start3A_81] : memref<512x128xf32, #tpu.memory_space<vmem>> -> memref<128x128xf32, #tpu.memory_space<vmem>>
    %dma_start3A_83 = arith.constant 0 : i32
    %dma_start3A_84 = tpu.memref_slice %arg5[%add3A_79, %dma_start3A_83] : memref<16384x128xf32, #tpu.memory_space<hbm>> -> memref<128x128xf32, #tpu.memory_space<hbm>>
    %dma_start3A_85 = arith.constant 0 : i32
    %dma_start3A_86 = tpu.memref_slice %arg5[%add3A_79, %dma_start3A_85] : memref<16384x128xf32, #tpu.memory_space<hbm>> -> memref<128x128xf32, #tpu.memory_space<hbm>>
    %dma_start3A_87 = arith.constant 128 : i32
    %dma_start3A_88 = arith.constant 0 : i32
    %dma_start3A_89 = tpu.memref_slice %arg9[%dma_start3A_87, %dma_start3A_88] : memref<512x128xf32, #tpu.memory_space<vmem>> -> memref<128x128xf32, #tpu.memory_space<vmem>>
    tpu.enqueue_dma source(%dma_start3A_89 : memref<128x128xf32, #tpu.memory_space<vmem>>) target(%dma_start3A_86 : memref<128x128xf32, #tpu.memory_space<hbm>>) target_semaphore(%arg11 : memref<!tpu.dma_semaphore, #tpu.memory_space<semaphore_mem>>)
    %dma_wait3A_90 = arith.constant 256 : i32
    %dma_wait3A_91 = arith.constant 0 : i32
    %dma_wait3A_92 = tpu.memref_slice %arg9[%dma_wait3A_90, %dma_wait3A_91] : memref<512x128xf32, #tpu.memory_space<vmem>> -> memref<128x128xf32, #tpu.memory_space<vmem>>
    %dma_wait3A_93 = arith.constant 256 : i32
    %dma_wait3A_94 = tpu.memref_slice %arg8[%dma_wait3A_93] : memref<512xi32, #tpu.memory_space<vmem>> -> memref<128xi32, #tpu.memory_space<vmem>>
    %dma_wait3A_95 = arith.constant 0 : i32
    %dma_wait3A_96 = arith.constant 0 : i32
    %dma_wait3A_97 = tpu.memref_slice %arg4[%dma_wait3A_95, %dma_wait3A_96] : memref<100000x128xf32, #tpu.memory_space<hbm>> -> memref<100000x128xf32, #tpu.memory_space<hbm>>
    tpu.wait_indirect_dma semaphore(%arg10 : memref<!tpu.dma_semaphore, #tpu.memory_space<semaphore_mem>>) src(%dma_wait3A_97 : memref<100000x128xf32, #tpu.memory_space<hbm>>) dst(%dma_wait3A_92 : memref<128x128xf32, #tpu.memory_space<vmem>>)
    %add3A_98 = arith.constant 256 : i32
    %add3A_99 = arith.addi %mul3A_2, %add3A_98 : i32
    %dma_start3A_100 = arith.constant 256 : i32
    %dma_start3A_101 = arith.constant 0 : i32
    %dma_start3A_102 = tpu.memref_slice %arg9[%dma_start3A_100, %dma_start3A_101] : memref<512x128xf32, #tpu.memory_space<vmem>> -> memref<128x128xf32, #tpu.memory_space<vmem>>
    %dma_start3A_103 = arith.constant 0 : i32
    %dma_start3A_104 = tpu.memref_slice %arg5[%add3A_99, %dma_start3A_103] : memref<16384x128xf32, #tpu.memory_space<hbm>> -> memref<128x128xf32, #tpu.memory_space<hbm>>
    %dma_start3A_105 = arith.constant 0 : i32
    %dma_start3A_106 = tpu.memref_slice %arg5[%add3A_99, %dma_start3A_105] : memref<16384x128xf32, #tpu.memory_space<hbm>> -> memref<128x128xf32, #tpu.memory_space<hbm>>
    %dma_start3A_107 = arith.constant 256 : i32
    %dma_start3A_108 = arith.constant 0 : i32
    %dma_start3A_109 = tpu.memref_slice %arg9[%dma_start3A_107, %dma_start3A_108] : memref<512x128xf32, #tpu.memory_space<vmem>> -> memref<128x128xf32, #tpu.memory_space<vmem>>
    tpu.enqueue_dma source(%dma_start3A_109 : memref<128x128xf32, #tpu.memory_space<vmem>>) target(%dma_start3A_106 : memref<128x128xf32, #tpu.memory_space<hbm>>) target_semaphore(%arg11 : memref<!tpu.dma_semaphore, #tpu.memory_space<semaphore_mem>>)
    %dma_wait3A_110 = arith.constant 384 : i32
    %dma_wait3A_111 = arith.constant 0 : i32
    %dma_wait3A_112 = tpu.memref_slice %arg9[%dma_wait3A_110, %dma_wait3A_111] : memref<512x128xf32, #tpu.memory_space<vmem>> -> memref<128x128xf32, #tpu.memory_space<vmem>>
    %dma_wait3A_113 = arith.constant 384 : i32
    %dma_wait3A_114 = tpu.memref_slice %arg8[%dma_wait3A_113] : memref<512xi32, #tpu.memory_space<vmem>> -> memref<128xi32, #tpu.memory_space<vmem>>
    %dma_wait3A_115 = arith.constant 0 : i32
    %dma_wait3A_116 = arith.constant 0 : i32
    %dma_wait3A_117 = tpu.memref_slice %arg4[%dma_wait3A_115, %dma_wait3A_116] : memref<100000x128xf32, #tpu.memory_space<hbm>> -> memref<100000x128xf32, #tpu.memory_space<hbm>>
    tpu.wait_indirect_dma semaphore(%arg10 : memref<!tpu.dma_semaphore, #tpu.memory_space<semaphore_mem>>) src(%dma_wait3A_117 : memref<100000x128xf32, #tpu.memory_space<hbm>>) dst(%dma_wait3A_112 : memref<128x128xf32, #tpu.memory_space<vmem>>)
    %add3A_118 = arith.constant 384 : i32
    %add3A_119 = arith.addi %mul3A_2, %add3A_118 : i32
    %dma_start3A_120 = arith.constant 384 : i32
    %dma_start3A_121 = arith.constant 0 : i32
    %dma_start3A_122 = tpu.memref_slice %arg9[%dma_start3A_120, %dma_start3A_121] : memref<512x128xf32, #tpu.memory_space<vmem>> -> memref<128x128xf32, #tpu.memory_space<vmem>>
    %dma_start3A_123 = arith.constant 0 : i32
    %dma_start3A_124 = tpu.memref_slice %arg5[%add3A_119, %dma_start3A_123] : memref<16384x128xf32, #tpu.memory_space<hbm>> -> memref<128x128xf32, #tpu.memory_space<hbm>>
    %dma_start3A_125 = arith.constant 0 : i32
    %dma_start3A_126 = tpu.memref_slice %arg5[%add3A_119, %dma_start3A_125] : memref<16384x128xf32, #tpu.memory_space<hbm>> -> memref<128x128xf32, #tpu.memory_space<hbm>>
    %dma_start3A_127 = arith.constant 384 : i32
    %dma_start3A_128 = arith.constant 0 : i32
    %dma_start3A_129 = tpu.memref_slice %arg9[%dma_start3A_127, %dma_start3A_128] : memref<512x128xf32, #tpu.memory_space<vmem>> -> memref<128x128xf32, #tpu.memory_space<vmem>>
    tpu.enqueue_dma source(%dma_start3A_129 : memref<128x128xf32, #tpu.memory_space<vmem>>) target(%dma_start3A_126 : memref<128x128xf32, #tpu.memory_space<hbm>>) target_semaphore(%arg11 : memref<!tpu.dma_semaphore, #tpu.memory_space<semaphore_mem>>)
    %dma_wait3A_130 = arith.constant 0 : i32
    %dma_wait3A_131 = arith.constant 0 : i32
    %dma_wait3A_132 = tpu.memref_slice %arg9[%dma_wait3A_130, %dma_wait3A_131] : memref<512x128xf32, #tpu.memory_space<vmem>> -> memref<128x128xf32, #tpu.memory_space<vmem>>
    %dma_wait3A_133 = arith.constant 0 : i32
    %dma_wait3A_134 = tpu.memref_slice %arg5[%add3A_59, %dma_wait3A_133] : memref<16384x128xf32, #tpu.memory_space<hbm>> -> memref<128x128xf32, #tpu.memory_space<hbm>>
    %dma_wait3A_135 = arith.constant 0 : i32
    %dma_wait3A_136 = tpu.memref_slice %arg5[%add3A_59, %dma_wait3A_135] : memref<16384x128xf32, #tpu.memory_space<hbm>> -> memref<128x128xf32, #tpu.memory_space<hbm>>
    %dma_wait3A_137 = arith.constant 0 : i32
    %dma_wait3A_138 = arith.constant 0 : i32
    %dma_wait3A_139 = tpu.memref_slice %arg9[%dma_wait3A_137, %dma_wait3A_138] : memref<512x128xf32, #tpu.memory_space<vmem>> -> memref<128x128xf32, #tpu.memory_space<vmem>>
    tpu.wait_dma2 semaphore(%arg11 : memref<!tpu.dma_semaphore, #tpu.memory_space<semaphore_mem>>) src(%dma_wait3A_139 : memref<128x128xf32, #tpu.memory_space<vmem>>) dst(%dma_wait3A_136 : memref<128x128xf32, #tpu.memory_space<hbm>>)
    %dma_wait3A_140 = arith.constant 128 : i32
    %dma_wait3A_141 = arith.constant 0 : i32
    %dma_wait3A_142 = tpu.memref_slice %arg9[%dma_wait3A_140, %dma_wait3A_141] : memref<512x128xf32, #tpu.memory_space<vmem>> -> memref<128x128xf32, #tpu.memory_space<vmem>>
    %dma_wait3A_143 = arith.constant 0 : i32
    %dma_wait3A_144 = tpu.memref_slice %arg5[%add3A_79, %dma_wait3A_143] : memref<16384x128xf32, #tpu.memory_space<hbm>> -> memref<128x128xf32, #tpu.memory_space<hbm>>
    %dma_wait3A_145 = arith.constant 0 : i32
    %dma_wait3A_146 = tpu.memref_slice %arg5[%add3A_79, %dma_wait3A_145] : memref<16384x128xf32, #tpu.memory_space<hbm>> -> memref<128x128xf32, #tpu.memory_space<hbm>>
    %dma_wait3A_147 = arith.constant 128 : i32
    %dma_wait3A_148 = arith.constant 0 : i32
    %dma_wait3A_149 = tpu.memref_slice %arg9[%dma_wait3A_147, %dma_wait3A_148] : memref<512x128xf32, #tpu.memory_space<vmem>> -> memref<128x128xf32, #tpu.memory_space<vmem>>
    tpu.wait_dma2 semaphore(%arg11 : memref<!tpu.dma_semaphore, #tpu.memory_space<semaphore_mem>>) src(%dma_wait3A_149 : memref<128x128xf32, #tpu.memory_space<vmem>>) dst(%dma_wait3A_146 : memref<128x128xf32, #tpu.memory_space<hbm>>)
    %dma_wait3A_150 = arith.constant 256 : i32
    %dma_wait3A_151 = arith.constant 0 : i32
    %dma_wait3A_152 = tpu.memref_slice %arg9[%dma_wait3A_150, %dma_wait3A_151] : memref<512x128xf32, #tpu.memory_space<vmem>> -> memref<128x128xf32, #tpu.memory_space<vmem>>
    %dma_wait3A_153 = arith.constant 0 : i32
    %dma_wait3A_154 = tpu.memref_slice %arg5[%add3A_99, %dma_wait3A_153] : memref<16384x128xf32, #tpu.memory_space<hbm>> -> memref<128x128xf32, #tpu.memory_space<hbm>>
    %dma_wait3A_155 = arith.constant 0 : i32
    %dma_wait3A_156 = tpu.memref_slice %arg5[%add3A_99, %dma_wait3A_155] : memref<16384x128xf32, #tpu.memory_space<hbm>> -> memref<128x128xf32, #tpu.memory_space<hbm>>
    %dma_wait3A_157 = arith.constant 256 : i32
    %dma_wait3A_158 = arith.constant 0 : i32
    %dma_wait3A_159 = tpu.memref_slice %arg9[%dma_wait3A_157, %dma_wait3A_158] : memref<512x128xf32, #tpu.memory_space<vmem>> -> memref<128x128xf32, #tpu.memory_space<vmem>>
    tpu.wait_dma2 semaphore(%arg11 : memref<!tpu.dma_semaphore, #tpu.memory_space<semaphore_mem>>) src(%dma_wait3A_159 : memref<128x128xf32, #tpu.memory_space<vmem>>) dst(%dma_wait3A_156 : memref<128x128xf32, #tpu.memory_space<hbm>>)
    %dma_wait3A_160 = arith.constant 384 : i32
    %dma_wait3A_161 = arith.constant 0 : i32
    %dma_wait3A_162 = tpu.memref_slice %arg9[%dma_wait3A_160, %dma_wait3A_161] : memref<512x128xf32, #tpu.memory_space<vmem>> -> memref<128x128xf32, #tpu.memory_space<vmem>>
    %dma_wait3A_163 = arith.constant 0 : i32
    %dma_wait3A_164 = tpu.memref_slice %arg5[%add3A_119, %dma_wait3A_163] : memref<16384x128xf32, #tpu.memory_space<hbm>> -> memref<128x128xf32, #tpu.memory_space<hbm>>
    %dma_wait3A_165 = arith.constant 0 : i32
    %dma_wait3A_166 = tpu.memref_slice %arg5[%add3A_119, %dma_wait3A_165] : memref<16384x128xf32, #tpu.memory_space<hbm>> -> memref<128x128xf32, #tpu.memory_space<hbm>>
    %dma_wait3A_167 = arith.constant 384 : i32
    %dma_wait3A_168 = arith.constant 0 : i32
    %dma_wait3A_169 = tpu.memref_slice %arg9[%dma_wait3A_167, %dma_wait3A_168] : memref<512x128xf32, #tpu.memory_space<vmem>> -> memref<128x128xf32, #tpu.memory_space<vmem>>
    tpu.wait_dma2 semaphore(%arg11 : memref<!tpu.dma_semaphore, #tpu.memory_space<semaphore_mem>>) src(%dma_wait3A_169 : memref<128x128xf32, #tpu.memory_space<vmem>>) dst(%dma_wait3A_166 : memref<128x128xf32, #tpu.memory_space<hbm>>)
    return
  }
}

module attributes {stable_mosaic.version = 14 : i64} {
  func.func @mm_body(%arg0: i32, %arg1: memref<1024x128xf32, #tpu.memory_space<vmem>>, %arg2: memref<128x2048xbf16, #tpu.memory_space<vmem>>, %arg3: memref<16384x2048xf32, #tpu.memory_space<any>>, %arg4: memref<3x1024x2048xf32, #tpu.memory_space<vmem>>, %arg5: memref<3x!tpu.dma_semaphore, #tpu.memory_space<semaphore_mem>>) attributes {dimension_semantics = [#tpu.dimension_semantics<arbitrary>], iteration_bounds = array<i64: 16>, scalar_prefetch = 0 : i64, scratch_operands = 2 : i64, tpu.core_type = #tpu.core_type<tc>, window_params = [{transform_indices = @transform_0, window_bounds = array<i64: 1024, 128>}, {pipeline_mode = #tpu.pipeline_mode<synchronous>, transform_indices = @transform_1, window_bounds = array<i64: 128, 2048>}, {}]} {
    %rem3A = arith.constant 3 : i32
    %rem3A_0 = arith.remsi %arg0, %rem3A : i32
    %ge3A = arith.constant 3 : i32
    %ge3A_1 = arith.cmpi sge, %arg0, %ge3A : i32
    %convert_element_type3A = arith.extui %ge3A_1 : i1 to i32
    %cond3A = arith.constant 0 : i32
    %cond3A_2 = arith.cmpi ne, %convert_element_type3A, %cond3A : i32
    scf.if %cond3A_2 {
      %sub3A = arith.constant 3 : i32
      %sub3A_121 = arith.subi %arg0, %sub3A : i32
      %mul3A_122 = arith.constant 1024 : i32
      %mul3A_123 = arith.muli %sub3A_121, %mul3A_122 : i32
      %dma_wait3A = tpu.memref_slice %arg5[%rem3A_0] : memref<3x!tpu.dma_semaphore, #tpu.memory_space<semaphore_mem>> -> memref<1x!tpu.dma_semaphore, #tpu.memory_space<semaphore_mem>>
      %dma_wait3A_124 = tpu.memref_squeeze %dma_wait3A : memref<1x!tpu.dma_semaphore, #tpu.memory_space<semaphore_mem>> -> memref<!tpu.dma_semaphore, #tpu.memory_space<semaphore_mem>>
      %dma_wait3A_125 = arith.constant 0 : i32
      %dma_wait3A_126 = tpu.memref_slice %arg3[%mul3A_123, %dma_wait3A_125] : memref<16384x2048xf32, #tpu.memory_space<any>> -> memref<1024x2048xf32, #tpu.memory_space<any>>
      %dma_wait3A_127 = arith.constant 0 : i32
      %dma_wait3A_128 = arith.constant 0 : i32
      %dma_wait3A_129 = tpu.memref_slice %arg4[%rem3A_0, %dma_wait3A_127, %dma_wait3A_128] : memref<3x1024x2048xf32, #tpu.memory_space<vmem>> -> memref<1x1024x2048xf32, #tpu.memory_space<vmem>>
      %dma_wait3A_130 = tpu.memref_squeeze %dma_wait3A_129 : memref<1x1024x2048xf32, #tpu.memory_space<vmem>> -> memref<1024x2048xf32, #tpu.memory_space<vmem>>
      tpu.wait_dma2 semaphore(%dma_wait3A_124 : memref<!tpu.dma_semaphore, #tpu.memory_space<semaphore_mem>>) src(%dma_wait3A_130 : memref<1024x2048xf32, #tpu.memory_space<vmem>>) dst(%dma_wait3A_126 : memref<1024x2048xf32, #tpu.memory_space<any>>)
    } else {
    }
    %get3A = arith.constant 0 : index
    %get3A_3 = arith.constant 0 : index
    %get3A_4 = vector.load %arg1[%get3A, %get3A_3] : memref<1024x128xf32, #tpu.memory_space<vmem>>, vector<256x128xf32>
    %convert_element_type3A_5 = arith.truncf %get3A_4 : vector<256x128xf32> to vector<256x128xbf16>
    %get3A_6 = arith.constant 0 : index
    %get3A_7 = arith.constant 0 : index
    %get3A_8 = vector.load %arg2[%get3A_6, %get3A_7] : memref<128x2048xbf16, #tpu.memory_space<vmem>>, vector<128x2048xbf16>
    %dot_general3A = arith.constant dense<0.000000e+00> : vector<256x2048xf32>
    %dot_general3A_9 = tpu.matmul %convert_element_type3A_5, %get3A_8, %dot_general3A {dimension_numbers = #tpu.dot_dimension_numbers<[1], [0], [0], [1], [0, 0, 1, 1], [], []>, transpose_lhs_hint = false} : vector<256x128xbf16>, vector<128x2048xbf16>, vector<256x2048xf32> -> vector<256x2048xf32>
    %swap3A = arith.index_cast %rem3A_0 : i32 to index
    %swap3A_10 = arith.constant 0 : index
    %swap3A_11 = arith.constant 0 : index
    %swap3A_12 = vector.load %arg4[%swap3A, %swap3A_10, %swap3A_11] : memref<3x1024x2048xf32, #tpu.memory_space<vmem>>, vector<1x256x2048xf32>
    %swap3A_13 = vector.shape_cast %swap3A_12 : vector<1x256x2048xf32> to vector<256x2048xf32>
    %swap3A_14 = vector.shape_cast %dot_general3A_9 : vector<256x2048xf32> to vector<1x256x2048xf32>
    tpu.vector_store %arg4[%swap3A, %swap3A_10, %swap3A_11], %swap3A_14 {strides = array<i32>} : memref<3x1024x2048xf32, #tpu.memory_space<vmem>>, vector<1x256x2048xf32>,
    %mul3A = arith.constant 1024 : i32
    %mul3A_15 = arith.muli %arg0, %mul3A : i32
    %add3A = arith.constant 0 : i32
    %add3A_16 = arith.addi %mul3A_15, %add3A : i32
    %dma_start3A = tpu.memref_slice %arg5[%rem3A_0] : memref<3x!tpu.dma_semaphore, #tpu.memory_space<semaphore_mem>> -> memref<1x!tpu.dma_semaphore, #tpu.memory_space<semaphore_mem>>
    %dma_start3A_17 = tpu.memref_squeeze %dma_start3A : memref<1x!tpu.dma_semaphore, #tpu.memory_space<semaphore_mem>> -> memref<!tpu.dma_semaphore, #tpu.memory_space<semaphore_mem>>
    %dma_start3A_18 = arith.constant 0 : i32
    %dma_start3A_19 = tpu.memref_slice %arg3[%add3A_16, %dma_start3A_18] : memref<16384x2048xf32, #tpu.memory_space<any>> -> memref<256x2048xf32, #tpu.memory_space<any>>
    %dma_start3A_20 = arith.constant 0 : i32
    %dma_start3A_21 = arith.constant 0 : i32
    %dma_start3A_22 = tpu.memref_slice %arg4[%rem3A_0, %dma_start3A_20, %dma_start3A_21] : memref<3x1024x2048xf32, #tpu.memory_space<vmem>> -> memref<1x1024x2048xf32, #tpu.memory_space<vmem>>
    %dma_start3A_23 = tpu.memref_squeeze %dma_start3A_22 : memref<1x1024x2048xf32, #tpu.memory_space<vmem>> -> memref<1024x2048xf32, #tpu.memory_space<vmem>>
    %dma_start3A_24 = arith.constant 0 : i32
    %dma_start3A_25 = arith.constant 0 : i32
    %dma_start3A_26 = tpu.memref_slice %dma_start3A_23[%dma_start3A_24, %dma_start3A_25] : memref<1024x2048xf32, #tpu.memory_space<vmem>> -> memref<256x2048xf32, #tpu.memory_space<vmem>>
    tpu.enqueue_dma source(%dma_start3A_26 : memref<256x2048xf32, #tpu.memory_space<vmem>>) target(%dma_start3A_19 : memref<256x2048xf32, #tpu.memory_space<any>>) target_semaphore(%dma_start3A_17 : memref<!tpu.dma_semaphore, #tpu.memory_space<semaphore_mem>>)
    %get3A_27 = arith.constant 256 : index
    %get3A_28 = arith.constant 0 : index
    %get3A_29 = vector.load %arg1[%get3A_27, %get3A_28] : memref<1024x128xf32, #tpu.memory_space<vmem>>, vector<256x128xf32>
    %convert_element_type3A_30 = arith.truncf %get3A_29 : vector<256x128xf32> to vector<256x128xbf16>
    %get3A_31 = arith.constant 0 : index
    %get3A_32 = arith.constant 0 : index
    %get3A_33 = vector.load %arg2[%get3A_31, %get3A_32] : memref<128x2048xbf16, #tpu.memory_space<vmem>>, vector<128x2048xbf16>
    %dot_general3A_34 = arith.constant dense<0.000000e+00> : vector<256x2048xf32>
    %dot_general3A_35 = tpu.matmul %convert_element_type3A_30, %get3A_33, %dot_general3A_34 {dimension_numbers = #tpu.dot_dimension_numbers<[1], [0], [0], [1], [0, 0, 1, 1], [], []>, transpose_lhs_hint = false} : vector<256x128xbf16>, vector<128x2048xbf16>, vector<256x2048xf32> -> vector<256x2048xf32>
    %swap3A_36 = arith.index_cast %rem3A_0 : i32 to index
    %swap3A_37 = arith.constant 256 : index
    %swap3A_38 = arith.constant 0 : index
    %swap3A_39 = vector.load %arg4[%swap3A_36, %swap3A_37, %swap3A_38] : memref<3x1024x2048xf32, #tpu.memory_space<vmem>>, vector<1x256x2048xf32>
    %swap3A_40 = vector.shape_cast %swap3A_39 : vector<1x256x2048xf32> to vector<256x2048xf32>
    %swap3A_41 = vector.shape_cast %dot_general3A_35 : vector<256x2048xf32> to vector<1x256x2048xf32>
    tpu.vector_store %arg4[%swap3A_36, %swap3A_37, %swap3A_38], %swap3A_41 {strides = array<i32>} : memref<3x1024x2048xf32, #tpu.memory_space<vmem>>, vector<1x256x2048xf32>,
    %mul3A_42 = arith.constant 1024 : i32
    %mul3A_43 = arith.muli %arg0, %mul3A_42 : i32
    %add3A_44 = arith.constant 256 : i32
    %add3A_45 = arith.addi %mul3A_43, %add3A_44 : i32
    %dma_start3A_46 = tpu.memref_slice %arg5[%rem3A_0] : memref<3x!tpu.dma_semaphore, #tpu.memory_space<semaphore_mem>> -> memref<1x!tpu.dma_semaphore, #tpu.memory_space<semaphore_mem>>
    %dma_start3A_47 = tpu.memref_squeeze %dma_start3A_46 : memref<1x!tpu.dma_semaphore, #tpu.memory_space<semaphore_mem>> -> memref<!tpu.dma_semaphore, #tpu.memory_space<semaphore_mem>>
    %dma_start3A_48 = arith.constant 0 : i32
    %dma_start3A_49 = tpu.memref_slice %arg3[%add3A_45, %dma_start3A_48] : memref<16384x2048xf32, #tpu.memory_space<any>> -> memref<256x2048xf32, #tpu.memory_space<any>>
    %dma_start3A_50 = arith.constant 0 : i32
    %dma_start3A_51 = arith.constant 0 : i32
    %dma_start3A_52 = tpu.memref_slice %arg4[%rem3A_0, %dma_start3A_50, %dma_start3A_51] : memref<3x1024x2048xf32, #tpu.memory_space<vmem>> -> memref<1x1024x2048xf32, #tpu.memory_space<vmem>>
    %dma_start3A_53 = tpu.memref_squeeze %dma_start3A_52 : memref<1x1024x2048xf32, #tpu.memory_space<vmem>> -> memref<1024x2048xf32, #tpu.memory_space<vmem>>
    %dma_start3A_54 = arith.constant 256 : i32
    %dma_start3A_55 = arith.constant 0 : i32
    %dma_start3A_56 = tpu.memref_slice %dma_start3A_53[%dma_start3A_54, %dma_start3A_55] : memref<1024x2048xf32, #tpu.memory_space<vmem>> -> memref<256x2048xf32, #tpu.memory_space<vmem>>
    tpu.enqueue_dma source(%dma_start3A_56 : memref<256x2048xf32, #tpu.memory_space<vmem>>) target(%dma_start3A_49 : memref<256x2048xf32, #tpu.memory_space<any>>) target_semaphore(%dma_start3A_47 : memref<!tpu.dma_semaphore, #tpu.memory_space<semaphore_mem>>)
    %get3A_57 = arith.constant 512 : index
    %get3A_58 = arith.constant 0 : index
    %get3A_59 = vector.load %arg1[%get3A_57, %get3A_58] : memref<1024x128xf32, #tpu.memory_space<vmem>>, vector<256x128xf32>
    %convert_element_type3A_60 = arith.truncf %get3A_59 : vector<256x128xf32> to vector<256x128xbf16>
    %get3A_61 = arith.constant 0 : index
    %get3A_62 = arith.constant 0 : index
    %get3A_63 = vector.load %arg2[%get3A_61, %get3A_62] : memref<128x2048xbf16, #tpu.memory_space<vmem>>, vector<128x2048xbf16>
    %dot_general3A_64 = arith.constant dense<0.000000e+00> : vector<256x2048xf32>
    %dot_general3A_65 = tpu.matmul %convert_element_type3A_60, %get3A_63, %dot_general3A_64 {dimension_numbers = #tpu.dot_dimension_numbers<[1], [0], [0], [1], [0, 0, 1, 1], [], []>, transpose_lhs_hint = false} : vector<256x128xbf16>, vector<128x2048xbf16>, vector<256x2048xf32> -> vector<256x2048xf32>
    %swap3A_66 = arith.index_cast %rem3A_0 : i32 to index
    %swap3A_67 = arith.constant 512 : index
    %swap3A_68 = arith.constant 0 : index
    %swap3A_69 = vector.load %arg4[%swap3A_66, %swap3A_67, %swap3A_68] : memref<3x1024x2048xf32, #tpu.memory_space<vmem>>, vector<1x256x2048xf32>
    %swap3A_70 = vector.shape_cast %swap3A_69 : vector<1x256x2048xf32> to vector<256x2048xf32>
    %swap3A_71 = vector.shape_cast %dot_general3A_65 : vector<256x2048xf32> to vector<1x256x2048xf32>
    tpu.vector_store %arg4[%swap3A_66, %swap3A_67, %swap3A_68], %swap3A_71 {strides = array<i32>} : memref<3x1024x2048xf32, #tpu.memory_space<vmem>>, vector<1x256x2048xf32>,
    %mul3A_72 = arith.constant 1024 : i32
    %mul3A_73 = arith.muli %arg0, %mul3A_72 : i32
    %add3A_74 = arith.constant 512 : i32
    %add3A_75 = arith.addi %mul3A_73, %add3A_74 : i32
    %dma_start3A_76 = tpu.memref_slice %arg5[%rem3A_0] : memref<3x!tpu.dma_semaphore, #tpu.memory_space<semaphore_mem>> -> memref<1x!tpu.dma_semaphore, #tpu.memory_space<semaphore_mem>>
    %dma_start3A_77 = tpu.memref_squeeze %dma_start3A_76 : memref<1x!tpu.dma_semaphore, #tpu.memory_space<semaphore_mem>> -> memref<!tpu.dma_semaphore, #tpu.memory_space<semaphore_mem>>
    %dma_start3A_78 = arith.constant 0 : i32
    %dma_start3A_79 = tpu.memref_slice %arg3[%add3A_75, %dma_start3A_78] : memref<16384x2048xf32, #tpu.memory_space<any>> -> memref<256x2048xf32, #tpu.memory_space<any>>
    %dma_start3A_80 = arith.constant 0 : i32
    %dma_start3A_81 = arith.constant 0 : i32
    %dma_start3A_82 = tpu.memref_slice %arg4[%rem3A_0, %dma_start3A_80, %dma_start3A_81] : memref<3x1024x2048xf32, #tpu.memory_space<vmem>> -> memref<1x1024x2048xf32, #tpu.memory_space<vmem>>
    %dma_start3A_83 = tpu.memref_squeeze %dma_start3A_82 : memref<1x1024x2048xf32, #tpu.memory_space<vmem>> -> memref<1024x2048xf32, #tpu.memory_space<vmem>>
    %dma_start3A_84 = arith.constant 512 : i32
    %dma_start3A_85 = arith.constant 0 : i32
    %dma_start3A_86 = tpu.memref_slice %dma_start3A_83[%dma_start3A_84, %dma_start3A_85] : memref<1024x2048xf32, #tpu.memory_space<vmem>> -> memref<256x2048xf32, #tpu.memory_space<vmem>>
    tpu.enqueue_dma source(%dma_start3A_86 : memref<256x2048xf32, #tpu.memory_space<vmem>>) target(%dma_start3A_79 : memref<256x2048xf32, #tpu.memory_space<any>>) target_semaphore(%dma_start3A_77 : memref<!tpu.dma_semaphore, #tpu.memory_space<semaphore_mem>>)
    %get3A_87 = arith.constant 768 : index
    %get3A_88 = arith.constant 0 : index
    %get3A_89 = vector.load %arg1[%get3A_87, %get3A_88] : memref<1024x128xf32, #tpu.memory_space<vmem>>, vector<256x128xf32>
    %convert_element_type3A_90 = arith.truncf %get3A_89 : vector<256x128xf32> to vector<256x128xbf16>
    %get3A_91 = arith.constant 0 : index
    %get3A_92 = arith.constant 0 : index
    %get3A_93 = vector.load %arg2[%get3A_91, %get3A_92] : memref<128x2048xbf16, #tpu.memory_space<vmem>>, vector<128x2048xbf16>
    %dot_general3A_94 = arith.constant dense<0.000000e+00> : vector<256x2048xf32>
    %dot_general3A_95 = tpu.matmul %convert_element_type3A_90, %get3A_93, %dot_general3A_94 {dimension_numbers = #tpu.dot_dimension_numbers<[1], [0], [0], [1], [0, 0, 1, 1], [], []>, transpose_lhs_hint = false} : vector<256x128xbf16>, vector<128x2048xbf16>, vector<256x2048xf32> -> vector<256x2048xf32>
    %swap3A_96 = arith.index_cast %rem3A_0 : i32 to index
    %swap3A_97 = arith.constant 768 : index
    %swap3A_98 = arith.constant 0 : index
    %swap3A_99 = vector.load %arg4[%swap3A_96, %swap3A_97, %swap3A_98] : memref<3x1024x2048xf32, #tpu.memory_space<vmem>>, vector<1x256x2048xf32>
    %swap3A_100 = vector.shape_cast %swap3A_99 : vector<1x256x2048xf32> to vector<256x2048xf32>
    %swap3A_101 = vector.shape_cast %dot_general3A_95 : vector<256x2048xf32> to vector<1x256x2048xf32>
    tpu.vector_store %arg4[%swap3A_96, %swap3A_97, %swap3A_98], %swap3A_101 {strides = array<i32>} : memref<3x1024x2048xf32, #tpu.memory_space<vmem>>, vector<1x256x2048xf32>,
    %mul3A_102 = arith.constant 1024 : i32
    %mul3A_103 = arith.muli %arg0, %mul3A_102 : i32
    %add3A_104 = arith.constant 768 : i32
    %add3A_105 = arith.addi %mul3A_103, %add3A_104 : i32
    %dma_start3A_106 = tpu.memref_slice %arg5[%rem3A_0] : memref<3x!tpu.dma_semaphore, #tpu.memory_space<semaphore_mem>> -> memref<1x!tpu.dma_semaphore, #tpu.memory_space<semaphore_mem>>
    %dma_start3A_107 = tpu.memref_squeeze %dma_start3A_106 : memref<1x!tpu.dma_semaphore, #tpu.memory_space<semaphore_mem>> -> memref<!tpu.dma_semaphore, #tpu.memory_space<semaphore_mem>>
    %dma_start3A_108 = arith.constant 0 : i32
    %dma_start3A_109 = tpu.memref_slice %arg3[%add3A_105, %dma_start3A_108] : memref<16384x2048xf32, #tpu.memory_space<any>> -> memref<256x2048xf32, #tpu.memory_space<any>>
    %dma_start3A_110 = arith.constant 0 : i32
    %dma_start3A_111 = arith.constant 0 : i32
    %dma_start3A_112 = tpu.memref_slice %arg4[%rem3A_0, %dma_start3A_110, %dma_start3A_111] : memref<3x1024x2048xf32, #tpu.memory_space<vmem>> -> memref<1x1024x2048xf32, #tpu.memory_space<vmem>>
    %dma_start3A_113 = tpu.memref_squeeze %dma_start3A_112 : memref<1x1024x2048xf32, #tpu.memory_space<vmem>> -> memref<1024x2048xf32, #tpu.memory_space<vmem>>
    %dma_start3A_114 = arith.constant 768 : i32
    %dma_start3A_115 = arith.constant 0 : i32
    %dma_start3A_116 = tpu.memref_slice %dma_start3A_113[%dma_start3A_114, %dma_start3A_115] : memref<1024x2048xf32, #tpu.memory_space<vmem>> -> memref<256x2048xf32, #tpu.memory_space<vmem>>
    tpu.enqueue_dma source(%dma_start3A_116 : memref<256x2048xf32, #tpu.memory_space<vmem>>) target(%dma_start3A_109 : memref<256x2048xf32, #tpu.memory_space<any>>) target_semaphore(%dma_start3A_107 : memref<!tpu.dma_semaphore, #tpu.memory_space<semaphore_mem>>)
    %eq3A = arith.constant 15 : i32
    %eq3A_117 = arith.cmpi eq, %arg0, %eq3A : i32
    %convert_element_type3A_118 = arith.extui %eq3A_117 : i1 to i32
    %cond3A_119 = arith.constant 0 : i32
    %cond3A_120 = arith.cmpi ne, %convert_element_type3A_118, %cond3A_119 : i32
    scf.if %cond3A_120 {
      %rem3A_121 = arith.constant 15 : i32
      %rem3A_122 = arith.constant 3 : i32
      %rem3A_123 = arith.remsi %rem3A_121, %rem3A_122 : i32
      %rem3A_124 = arith.constant 15 : i32
      %rem3A_125 = arith.constant 3 : i32
      %rem3A_126 = arith.remsi %rem3A_124, %rem3A_125 : i32
      %dma_wait3A = tpu.memref_slice %arg5[%rem3A_126] : memref<3x!tpu.dma_semaphore, #tpu.memory_space<semaphore_mem>> -> memref<1x!tpu.dma_semaphore, #tpu.memory_space<semaphore_mem>>
      %dma_wait3A_127 = tpu.memref_squeeze %dma_wait3A : memref<1x!tpu.dma_semaphore, #tpu.memory_space<semaphore_mem>> -> memref<!tpu.dma_semaphore, #tpu.memory_space<semaphore_mem>>
      %dma_wait3A_128 = arith.constant 15360 : i32
      %dma_wait3A_129 = arith.constant 0 : i32
      %dma_wait3A_130 = tpu.memref_slice %arg3[%dma_wait3A_128, %dma_wait3A_129] : memref<16384x2048xf32, #tpu.memory_space<any>> -> memref<1024x2048xf32, #tpu.memory_space<any>>
      %dma_wait3A_131 = arith.constant 0 : i32
      %dma_wait3A_132 = arith.constant 0 : i32
      %dma_wait3A_133 = tpu.memref_slice %arg4[%rem3A_123, %dma_wait3A_131, %dma_wait3A_132] : memref<3x1024x2048xf32, #tpu.memory_space<vmem>> -> memref<1x1024x2048xf32, #tpu.memory_space<vmem>>
      %dma_wait3A_134 = tpu.memref_squeeze %dma_wait3A_133 : memref<1x1024x2048xf32, #tpu.memory_space<vmem>> -> memref<1024x2048xf32, #tpu.memory_space<vmem>>
      tpu.wait_dma2 semaphore(%dma_wait3A_127 : memref<!tpu.dma_semaphore, #tpu.memory_space<semaphore_mem>>) src(%dma_wait3A_134 : memref<1024x2048xf32, #tpu.memory_space<vmem>>) dst(%dma_wait3A_130 : memref<1024x2048xf32, #tpu.memory_space<any>>)
      %rem3A_135 = arith.constant 14 : i32
      %rem3A_136 = arith.constant 3 : i32
      %rem3A_137 = arith.remsi %rem3A_135, %rem3A_136 : i32
      %rem3A_138 = arith.constant 14 : i32
      %rem3A_139 = arith.constant 3 : i32
      %rem3A_140 = arith.remsi %rem3A_138, %rem3A_139 : i32
      %dma_wait3A_141 = tpu.memref_slice %arg5[%rem3A_140] : memref<3x!tpu.dma_semaphore, #tpu.memory_space<semaphore_mem>> -> memref<1x!tpu.dma_semaphore, #tpu.memory_space<semaphore_mem>>
      %dma_wait3A_142 = tpu.memref_squeeze %dma_wait3A_141 : memref<1x!tpu.dma_semaphore, #tpu.memory_space<semaphore_mem>> -> memref<!tpu.dma_semaphore, #tpu.memory_space<semaphore_mem>>
      %dma_wait3A_143 = arith.constant 14336 : i32
      %dma_wait3A_144 = arith.constant 0 : i32
      %dma_wait3A_145 = tpu.memref_slice %arg3[%dma_wait3A_143, %dma_wait3A_144] : memref<16384x2048xf32, #tpu.memory_space<any>> -> memref<1024x2048xf32, #tpu.memory_space<any>>
      %dma_wait3A_146 = arith.constant 0 : i32
      %dma_wait3A_147 = arith.constant 0 : i32
      %dma_wait3A_148 = tpu.memref_slice %arg4[%rem3A_137, %dma_wait3A_146, %dma_wait3A_147] : memref<3x1024x2048xf32, #tpu.memory_space<vmem>> -> memref<1x1024x2048xf32, #tpu.memory_space<vmem>>
      %dma_wait3A_149 = tpu.memref_squeeze %dma_wait3A_148 : memref<1x1024x2048xf32, #tpu.memory_space<vmem>> -> memref<1024x2048xf32, #tpu.memory_space<vmem>>
      tpu.wait_dma2 semaphore(%dma_wait3A_142 : memref<!tpu.dma_semaphore, #tpu.memory_space<semaphore_mem>>) src(%dma_wait3A_149 : memref<1024x2048xf32, #tpu.memory_space<vmem>>) dst(%dma_wait3A_145 : memref<1024x2048xf32, #tpu.memory_space<any>>)
      %rem3A_150 = arith.constant 13 : i32
      %rem3A_151 = arith.constant 3 : i32
      %rem3A_152 = arith.remsi %rem3A_150, %rem3A_151 : i32
      %rem3A_153 = arith.constant 13 : i32
      %rem3A_154 = arith.constant 3 : i32
      %rem3A_155 = arith.remsi %rem3A_153, %rem3A_154 : i32
      %dma_wait3A_156 = tpu.memref_slice %arg5[%rem3A_155] : memref<3x!tpu.dma_semaphore, #tpu.memory_space<semaphore_mem>> -> memref<1x!tpu.dma_semaphore, #tpu.memory_space<semaphore_mem>>
      %dma_wait3A_157 = tpu.memref_squeeze %dma_wait3A_156 : memref<1x!tpu.dma_semaphore, #tpu.memory_space<semaphore_mem>> -> memref<!tpu.dma_semaphore, #tpu.memory_space<semaphore_mem>>
      %dma_wait3A_158 = arith.constant 13312 : i32
      %dma_wait3A_159 = arith.constant 0 : i32
      %dma_wait3A_160 = tpu.memref_slice %arg3[%dma_wait3A_158, %dma_wait3A_159] : memref<16384x2048xf32, #tpu.memory_space<any>> -> memref<1024x2048xf32, #tpu.memory_space<any>>
      %dma_wait3A_161 = arith.constant 0 : i32
      %dma_wait3A_162 = arith.constant 0 : i32
      %dma_wait3A_163 = tpu.memref_slice %arg4[%rem3A_152, %dma_wait3A_161, %dma_wait3A_162] : memref<3x1024x2048xf32, #tpu.memory_space<vmem>> -> memref<1x1024x2048xf32, #tpu.memory_space<vmem>>
      %dma_wait3A_164 = tpu.memref_squeeze %dma_wait3A_163 : memref<1x1024x2048xf32, #tpu.memory_space<vmem>> -> memref<1024x2048xf32, #tpu.memory_space<vmem>>
      tpu.wait_dma2 semaphore(%dma_wait3A_157 : memref<!tpu.dma_semaphore, #tpu.memory_space<semaphore_mem>>) src(%dma_wait3A_164 : memref<1024x2048xf32, #tpu.memory_space<vmem>>) dst(%dma_wait3A_160 : memref<1024x2048xf32, #tpu.memory_space<any>>)
    } else {
    }
    return
  }
  func.func @transform_0(%arg0: i32) -> (i32, i32) {
    %c0_i32 = arith.constant 0 : i32
    %c0_i32_0 = arith.constant 0 : i32
    return %arg0, %c0_i32 : i32, i32
  }
  func.func @transform_1(%arg0: i32) -> (i32, i32) {
    %c0_i32 = arith.constant 0 : i32
    %c0_i32_0 = arith.constant 0 : i32
    %c0_i32_1 = arith.constant 0 : i32
    return %c0_i32, %c0_i32_0 : i32, i32
  }
}

</mosaic_0001>

<sc_bundles>
// kernel: kernel.4.cloned.1.call-start
scs
__scs_entry_jumppad:
0x0: {  	(pc) =	sbr.rel $0x88, $3  }
0x1: {  	(tag) =	ssettag $0x0;
	lr =	simm.s32 $0x1  }
0x2: {  	[smem:$0x3F9E] =	sst lr;
	_ =	strace $0xD0000000  }
0x3: {  	_ = 	snop  }
0x4: {  	_ = 	snop  }
0x5: {  	_ = 	snop  }
0x6: {  	_ = 	snop  }
0x7: {  	_ = 	snop  }
__scs_overlays_trampoline_lowered:
0x8: {  	[smem:$0x3FAD] =	sst s0  }
0x9: {  	[smem:$0x3FAE] =	sst s1  }
0xa: {  	[smem:$0x3FAF] =	sst s2  }
0xb: {  	[smem:$0x3FB0] =	sst s3  }
0xc: {  	[smem:$0x3FB1] =	sst s4  }
0xd: {  	[smem:$0x3FB2] =	sst s5  }
0xe: {  	[smem:$0x3FB3] =	sst s6  }
0xf: {  	[smem:$0x3FB4] =	sst s7  }
0x10: {  	[smem:$0x3FB5] =	sst s8  }
0x11: {  	[smem:$0x3FB6] =	sst s9;
	s0 =	simm.s32 @!p0 $0x0  }
0x12: {  	s1 =	sld [smem:$0x3F9C];
	s0 =	simm.s32 @p0 $0x1  }
0x13: {  	[smem:$0x3FB7] =	sst s0;
	s0 =	simm.s32 @!p1 $0x0  }
0x14: {  	s2 =	sld [smem:$0x3F9B];
	s0 =	simm.s32 @p1 $0x1  }
0x15: {  	[smem:$0x3FB8] =	sst s0;
	s0 =	simm.s32 @!p2 $0x0  }
0x16: {  	s3 =	sld [smem:$0x3FDB];
	s0 =	simm.s32 @p2 $0x1  }
0x17: {  	s4 =	simm.s32 $0x1BF5;
	[smem:$0x3FBA] =	sst s0  }
0x18: {  	s0 =	sld [smem:$0x3F9D];
	_ =	swait.ge [sflag:s4], $0x0  }
0x19: {  	s7 =	sld [smem:$0x3F9E]  }
0x1a: {  	s8 =	sadd.s32 $0xFFFFE003, lr  }
0x1b: {  	s9 =	sadd.s32 $0xFFFFFEF7, lr;
	s5 =	simm.s32 $0xFFFFFFFF;
	p2 =	slt.u32 s8, $0xFFFFF086  }
0x1c: {  	p1 =	slt.u32 s9, $0xF7A;
	s5 =	simm.s32 @!p2 $0x0  }
0x1d: {  	s5 =	simm.s32 @p1 $0x1;
	p0 =	seq.s32 s7, s2  }
0x1e: {  	s7 =	smul.u32 @!p0 $0xF7A, s2;
	p2 =	seq.s32 @!p0 s5, $0x0  }
0x1f: {  	s9 =	smul.u32 $0xF7A, s1;
	s8 =	simm.s32 @!p0 $0x1BF5;
	p2 =	por !p2, p0  }
0x20: {  	[sflag:s8] =	ssyncset.s32 @!p0 $0xFFFFF086;
	s6 =	sadd.s32 @!p0 s3, s7;
	s7 =	simm.s32 @!p0 $0x108  }
0x21: {  	s3 =	sadd.s32 s3, s9;
	s6 =	sadd.s32 @!p0 $0x88, s6;
	s7 =	simm.s32 @p2 $0x1082  }
0x22: {  	[simem:s7], [sflag:s8] =	dma.local @!p0 [hbm:s6], $0xF7A  }
0x23: {  	s9 =	sor.u32 $0xD0000000, s2;
	s6 =	simm.s32 $0x108;
	_ =	swait.ge @!p0 [sflag:s8], $0x0  }
0x24: {  	s3 =	sadd.s32 $0x88, s3;
	s6 =	simm.s32 @!p1 $0x1082;
	[sflag:s4] =	ssyncset.s32 $0xFFFFF086  }
0x25: {  	[simem:s6], [sflag:s4] =	dma.local [hbm:s3], $0xF7A  }
0x26: {  	[smem:$0x3F9E] =	sst s1;
	(tag) =	ssettag s2;
	_ =	strace s9  }
0x27: {  	s1 =	sld [smem:$0x3FAE]  }
0x28: {  	s2 =	sld [smem:$0x3FAF]  }
0x29: {  	s4 =	sld [smem:$0x3FB1]  }
0x2a: {  	p0 =	seq.s32 s5, $0x0;
	s5 =	sld [smem:$0x3FB2]  }
0x2b: {  	s6 =	sld [smem:$0x3FB3]  }
0x2c: {  	s7 =	sld [smem:$0x3FB4]  }
0x2d: {  	s3 =	simm.s32 $0x108;
	s8 =	sld [smem:$0x3FB5]  }
0x2e: {  	s3 =	simm.s32 @!p0 $0x1082;
	s9 =	sld [smem:$0x3FB6]  }
0x2f: {  	lr =	sadd.s32 s0, s3;
	s0 =	sld [smem:$0x3FAD]  }
0x30: {  	s3 =	sld [smem:$0x3FB0]  }
0x31: {  	[smem:$0x3FB9] =	sst s10  }
0x32: {  	s10 =	sld [smem:$0x3FB7];
	_ =	sdelay $0x3  }
0x33: {  	p0 =	seq.s32 s10, $0x1;
	s10 =	sld [smem:$0x3FB9];
	_ =	sdelay $0x3  }
0x34: {  	[smem:$0x3FB9] =	sst s10  }
0x35: {  	s10 =	sld [smem:$0x3FB8];
	_ =	sdelay $0x3  }
0x36: {  	p1 =	seq.s32 s10, $0x1;
	s10 =	sld [smem:$0x3FB9];
	_ =	sdelay $0x3  }
0x37: {  	[smem:$0x3FB9] =	sst s10  }
0x38: {  	s10 =	sld [smem:$0x3FBA]  }
0x39: {  	_ = 	snop;
	(pc) =	sbr.ind lr, $3  }
0x3a: {  	_ = 	snop  }
0x3b: {  	_ = 	snop  }
0x3c: {  	p2 =	seq.s32 s10, $0x1;
	s10 =	sld [smem:$0x3FB9]  }
0x3d: {  	_ =	shalt  }
0x3e: {  	_ =	shalt  }
0x3f: {  	_ =	shalt  }
0x40: {  	_ =	shalt  }
0x41: {  	_ =	shalt  }
0x42: {  	_ =	shalt  }
0x43: {  	_ =	shalt  }
0x44: {  	_ =	shalt  }
0x45: {  	_ =	shalt  }
0x46: {  	_ =	shalt  }
0x47: {  	_ =	shalt  }
0x48: {  	_ =	shalt  }
0x49: {  	_ =	shalt  }
0x4a: {  	_ =	shalt  }
0x4b: {  	_ =	shalt  }
0x4c: {  	_ =	shalt  }
0x4d: {  	_ =	shalt  }
0x4e: {  	_ =	shalt  }
0x4f: {  	_ =	shalt  }
0x50: {  	_ =	shalt  }
0x51: {  	_ =	shalt  }
0x52: {  	_ =	shalt  }
0x53: {  	_ =	shalt  }
0x54: {  	_ =	shalt  }
0x55: {  	_ =	shalt  }
0x56: {  	_ =	shalt  }
0x57: {  	_ =	shalt  }
0x58: {  	_ =	shalt  }
0x59: {  	_ =	shalt  }
0x5a: {  	_ =	shalt  }
0x5b: {  	_ =	shalt  }
0x5c: {  	_ =	shalt  }
0x5d: {  	_ =	shalt  }
0x5e: {  	_ =	shalt  }
0x5f: {  	_ =	shalt  }
0x60: {  	_ =	shalt  }
0x61: {  	_ =	shalt  }
0x62: {  	_ =	shalt  }
0x63: {  	_ =	shalt  }
0x64: {  	_ =	shalt  }
0x65: {  	_ =	shalt  }
0x66: {  	_ =	shalt  }
0x67: {  	_ =	shalt  }
0x68: {  	_ =	shalt  }
0x69: {  	_ =	shalt  }
0x6a: {  	_ =	shalt  }
0x6b: {  	_ =	shalt  }
0x6c: {  	_ =	shalt  }
0x6d: {  	_ =	shalt  }
0x6e: {  	_ =	shalt  }
0x6f: {  	_ =	shalt  }
0x70: {  	_ =	shalt  }
0x71: {  	_ =	shalt  }
0x72: {  	_ =	shalt  }
0x73: {  	_ =	shalt  }
0x74: {  	_ =	shalt  }
0x75: {  	_ =	shalt  }
0x76: {  	_ =	shalt  }
0x77: {  	_ =	shalt  }
0x78: {  	_ =	shalt  }
0x79: {  	_ =	shalt  }
0x7a: {  	_ =	shalt  }
0x7b: {  	_ =	shalt  }
0x7c: {  	_ =	shalt  }
0x7d: {  	_ =	shalt  }
0x7e: {  	_ =	shalt  }
0x7f: {  	_ =	shalt  }
0x80: {  	_ =	shalt  }
0x81: {  	_ =	shalt  }
0x82: {  	_ =	shalt  }
0x83: {  	_ =	shalt  }
0x84: {  	_ =	shalt  }
0x85: {  	_ =	shalt  }
0x86: {  	_ =	shalt  }
0x87: {  	_ =	shalt  }
.Lfunc_end0:
.L_simem_size_0:
called_computation_lowered:
.L_overlay_start_0:
0x88: {  	s2 =	sld [smem:$0x3FD9]  }
0x89: {  	s3 =	sld [smem:$0x3FFE];
	_ =	sdelay $0x1  }
0x8a: {  	s1 =	srdreg.scid  }
0x8b: {  	s0 =	sand.u32 $0x1, s1  }
0x8c: {  	s17 =	sshll.u32 s0, $0xA;
	s2 =	sadd.s32 s3, s2  }
0x8d: {  	s2 =	sadd.s32 s2, s17  }
0x8e: {  	[smem:$0x3FC5] =	sst s2  }
0x8f: {  	_ = 	snop  }
0x90: {  	s2 =	sld [smem:$0x3FC8]  }
0x91: {  	s18 =	sld [smem:$0x3FD0];
	(tm) =	ssettm $0x1  }
0x92: {  	s4 =	sld [smem:$0x3FFB];
	_ =	sdelay $0x3  }
0x93: {  	_ =	strace s4  }
0x94: {  	s4 =	sld [smem:$0x3FFC];
	_ =	sdelay $0x3  }
0x95: {  	_ =	strace s4  }
0x96: {  	s4 =	sld [smem:$0x3FFD];
	_ =	sdelay $0x3  }
0x97: {  	_ =	strace s4  }
0x98: {  	_ =	strace $0x8FFFFFFF  }
0x99: {  	s19 =	sld [smem:$0x3FDB];
	_ =	sdelay $0x1  }
0x9a: {  	s5 =	simm.s32 $_scs_section_size  }
0x9b: {  	s6 =	simm.s32 $_size__tile_overlayer_lowered;
	s7 =	simm.s32 $_tile_overlayer_lowered  }
0x9c: {  	s22 =	simm.s32 $0x1BFF;
	s21 =	sshll.u32 s7, $0x1;
	s4 =	sadd.s32 s5, s19  }
0x9d: {  	s8 =	simm.s32 $0x0;
	s20 =	sshll.u32 s6, $0x1;
	s6 =	sadd.s32 s21, s4  }
0x9e: {  	[timem:s8], [sflag:s22] =	dma.local [hbm:s6], s20  }
0x9f: {  	_ =	swait.ge [sflag:s22], s20  }
0xa0: {  	s5 =	ssub.s32 $0x0, s20;
	[sflag:s22] =	ssyncset.done $0x0  }
0xa1: {  	[sflag:s22] =	ssyncadd.s32 s5;
	_ =	sdelay $0x1  }
0xa2: {  	s23 =	simm.s32 $0x1B8B  }
0xa3: {  	_ =	swait.ge [sflag:s23], $0x1  }
0xa4: {  	[sflag:s23] =	ssyncset.done $0x0  }
0xa5: {  	s25 =	simm.s32 $0x1B8E;
	s24 =	sld [smem:$0x3FFE];
	[sflag:s23] =	ssyncadd.s32 $0xFFFFFFFF  }
0xa6: {  	s26 =	simm.s32 $execute0_lowered;
	[smem:$0x3FD2] =	sst s25  }
0xa7: {  	s6 =	sshll.u32 s26, $0x1;
	_ =	strace $0x80000046;
	[dreg:$0x1] =	wrdreg $0xFFFFFFFF  }
0xa8: {  	s28 =	simm.s32 $_size_execute0_lowered;
	s4 =	sadd.s32 s4, s6;
	[dreg:$0x0] =	wrdreg $0x0  }
0xa9: {  	s6 =	sshll.u32 s28, $0x1;
	[dreg:$0x2] =	wrdreg s4  }
0xaa: {  	[dreg:$0x3] =	wrdreg s6  }
0xab: {  	[dreg:$0x4] =	wrdreg $0xC0  }
0xac: {  	_ =	task [dreg:s8], $0x5FFFF  }
0xad: {  	[dreg:$0x1] =	wrdreg $0xFFFFFFFF  }
0xae: {  	[dreg:$0x0] =	wrdreg $0x60  }
0xaf: {  	[dreg:$0x2] =	wrdreg s24  }
0xb0: {  	[dreg:$0x3] =	wrdreg s2  }
0xb1: {  	[dreg:$0x4] =	wrdreg s18  }
0xb2: {  	[dreg:$0x5] =	wrdreg $0x9  }
0xb3: {  	_ =	task.clear_ibuf [dreg:s8], $0x6FFFF;
	_ =	strace $0x90000046  }
0xb4: {  	s29 =	simm.s32 $0x9;
	_ =	strace $0x80000048  }
0xb5: {  	_ =	swait.ge [sflag:s29], $0x1  }
0xb6: {  	[sflag:s29] =	ssyncadd.s32 $0xFFFFFFFF  }
0xb7: {  	_ =	strace $0x90000048  }
0xb8: {  	_ =	sfence  }
0xb9: {  	s30 =	sld [smem:$0x0];
	_ =	sdelay $0x2  }
0xba: {  	s31 =	sshll.u32 s1, $0xD;
	s1 =	sshrl.u32 s1, $0x2  }
0xbb: {  	s3 =	sand.u32 $0x4000, s31;
	s1 =	sadd.s32 s1, s30  }
0xbc: {  	s0 =	sor.u32 s3, s0;
	s1 =	sshll.u32 s1, $0x11  }
0xbd: {  	s0 =	sor.u32 s1, s0  }
0xbe: {  	s0 =	sadd.s32 $0x8F2B, s0  }
0xbf: {  	[sflag:s0] =	ssyncadd.remote.s32 $0x1  }
0xc0: {  	_ =	sfence.sel $0xFFFF  }
0xc1: {  	[dreg:$0x0] =	wrdreg $0xFFFFFFFF;
	(pc) =	sbr.abs _section_cstart, $3  }
0xc2: {  	[dreg:$0x1] =	wrdreg $0xFFFFFFFF  }
0xc3: {  	_ =	task.clear_ibuf [dreg:s8], $0x2FFFF;
	_ =	strace $0x9FFFFFFF  }
0xc4: {  	(tm) =	ssettm $0x7FFFFFFF  }
0xc5: {  	_ =	shalt  }
tec
execute0_lowered:
.L_overlay_start_1:
0x0: {  	(tag) =	ssettag $0x1  }
0x1: {  	s4 =	rddreg [dreg:$0x0]  }
0x2: {  	s2 =	rddreg [dreg:$0x1]  }
0x3: {  	s6 =	rddreg [dreg:$0x2];
	s3 =	srdreg.scid  }
0x4: {  	s0 =	rddreg [dreg:$0x3];
	s1 =	stileid.u32;
	s11 =	simm.s32 $0x3  }
0x5: {  	s12 =	simm.s32 $0x200;
	s13 =	simm.s32 $0x80;
	s14 =	simm.s32 $0x400  }
0x6: {  	s15 =	simm.s32 $0x600;
	s16 =	simm.s32 $0x480;
	s17 =	simm.s32 $0x4600  }
0x7: {  	s18 =	simm.s32 $0x500;
	s19 =	simm.s32 $0x8600;
	s20 =	simm.s32 $0x580  }
0x8: {  	s21 =	simm.s32 $0xC600;
	s22 =	simm.s32 $0x1;
	s23 =	simm.s32 $0x2  }
0x9: {  	s24 =	simm.s32 $0x0;
	s5 =	sand.u32 $0x1, s3;
	s3 =	simm.s32 $0x0  }
0xa: {  	s7 =	sshll.u32 s1, $0xA;
	s8 =	sshll.u32 s5, $0x9;
	[smem:$0x7FF] =	sst s3  }
0xb: {  	s5 =	ssub.s32 $0x2, s5;
	s7 =	sor.u32 s8, s7;
	_ =	strace $0x80000047  }
0xc: {  	s9 =	sshrl.u32 s5, $0x1;
	s8 =	sshrl.u32 s7, $0x3;
	s7 =	sshll.u32 s7, $0x4  }
0xd: {  	s10 =	ssub.s32 s5, s9;
	s8 =	sadd.s32 s8, s4;
	s6 =	sadd.s32 s6, s7  }
0xe: {  	s10 =	smax.u32 s10, $0x1;
	s4 =	sadd.s32 $0x1200, s8;
	s5 =	sadd.s32 $0xA00, s8  }
0xf: {  	v0 =	vimm.f32 $2.147483650e+09;
	s7 =	sadd.s32 $0x800, s6;
	s8 =	sadd.s32 $0x1000, s6;
	s9 =	sadd.s32 $0x1800, s6  }
.LBB2_1:
0x10: {  	[tilespmem:s3], [sflag:$0x3] =	stream.linear.gather [hbm4b:s4+s3], $0x200, $0x38;
	[tilespmem:$0x10600] =	vst v63  }
0x11: {  	_ =	swait.ge [sflag:s11], $0x200  }
0x12: {  	[sflag:s11] =	ssyncset.done $0x0  }
0x13: {  	[sflag:s11] =	ssyncadd.s32 $0xFFFFFE00  }
0x14: {  	[tilespmem:s12], [sflag:$0x3] =	stream.linear.gather [hbm4b:s5+s3], $0x200, $0x38;
	[tilespmem:$0x10600] =	vst v63  }
0x15: {  	_ =	swait.ge [sflag:s11], $0x200  }
0x16: {  	[sflag:s11] =	ssyncset.done $0x0  }
0x17: {  	s25 =	simm.s32 $0x0;
	[sflag:s11] =	ssyncadd.s32 $0xFFFFFE00  }
0x18: {  	v1 =	vld [tilespmem:s25+$0x200]  }
0x19: {  	v2 =	vld [tilespmem:s25+$0x0];
	_ =	sdelay $0x3  }
0x1a: {  	s26 =	simm.s32 $0x10  }
0x1b: {  	v3 =	vld [tilespmem:s26+$0x200];
	v1 =	vmul.u32 $0x8DD9, v1;
	v2 =	vmul.u32 $0x6A37, v2  }
0x1c: {  	v4 =	vld [tilespmem:s26+$0x0]  }
0x1d: {  	v2 =	vadd.s32 v2, v1  }
0x1e: {  	v1 =	vshrl.u32 v2, $0x10  }
0x1f: {  	v1 =	vcvt.s32.f32 v1  }
0x20: {  	v3 =	vmul.u32 $0x8DD9, v3;
	v5 =	vand.u32 $0xFFFF, v2  }
0x21: {  	s28 =	simm.s32 $0x20;
	v4 =	vmul.u32 $0x6A37, v4;
	v5 =	vcvt.s32.f32 v5;
	v1 =	vmul.f32 $6.553600000e+04, v1  }
0x22: {  	v6 =	vld [tilespmem:s28+$0x200]  }
0x23: {  	v5 =	vadd.f32 v5, v1;
	v1 =	vadd.s32 v4, v3;
	v3 =	vld [tilespmem:s28+$0x0];
	_ =	sdelay $0x2  }
0x24: {  	v4 =	vshrl.u32 v1, $0x10;
	v5 =	vmul.f32 $9.999999740e-06, v5  }
0x25: {  	s29 =	simm.s32 $0x30;
	v6 =	vmul.u32 $0x8DD9, v6;
	v4 =	vcvt.s32.f32 v4  }
0x26: {  	v8 =	vld [tilespmem:s29+$0x200];
	v7 =	vand.u32 $0xFFFF, v1;
	v9 =	vsub.f32 v5, v0;
	v3 =	vmul.u32 $0x6A37, v3  }
0x27: {  	v7 =	vcvt.s32.f32 v7;
	v4 =	vmul.f32 $6.553600000e+04, v4  }
0x28: {  	v10 =	vtrunc.f32 v5;
	v9 =	vtrunc.f32 v9;
	v3 =	vadd.s32 v3, v6;
	v6 =	vld [tilespmem:s29+$0x0]  }
0x29: {  	v10 =	vcvt.f32.s32 v10;
	v9 =	vcvt.f32.s32 v9  }
0x2a: {  	vm0 =	vlt.f32 v5, $2.147483650e+09;
	v4 =	vadd.f32 v7, v4  }
0x2b: {  	v5 =	vmul.u32 $0x8DD9, v8;
	v7 =	vsel vm0, v10, v9  }
0x2c: {  	s30 =	simm.s32 $0x100;
	v8 =	vshrl.u32 v3, $0x10;
	v4 =	vmul.f32 $9.999999740e-06, v4;
	v7 =	vmul.u32 $0xFFFE7960, v7  }
.LBB2_2:
0x2d: {  	s31 =	sshra.s32 s30, $0x2;
	p0 =	sne.s32 s30, $0x7C0;
	v9 =	vmul.u32 $0x6A37, v6;
	v6 =	vand.u32 $0xFFFF, v3;
	v8 =	vcvt.s32.f32 v8  }
0x2e: {  	v10 =	vld [tilespmem:s31+$0x200];
	v11 =	vcvt.s32.f32 v6;
	v12 =	vsub.f32 v4, v0;
	v7 =	vadd.s32 v2, v7;
	v2 =	vmovc v1;
	v1 =	vmovc v3  }
0x2f: {  	v3 =	vmul.f32 $6.553600000e+04, v8;
	vm0 =	vgt.u32 v7, $0xB2D05E00;
	v8 =	vadd.s32 $0x186A0, v7  }
.Ltmp0:
0x30: {  	v13 =	vtrunc.f32 v4;
	v6 =	vld [tilespmem:s31+$0x0];
	v12 =	vtrunc.f32 v12;
	v7 =	vsel vm0, v8, v7;
	(pc) =	sbr.rel @p0 .LBB2_2-.Ltmp0, $4  }
0x31: {  	v8 =	vcvt.f32.s32 v13;
	v12 =	vcvt.f32.s32 v12;
	v13 =	vadd.s32 $0xFFFE7960, v7  }
0x32: {  	vm0 =	vlt.f32 v4, $2.147483650e+09;
	v11 =	vadd.f32 v11, v3;
	v4 =	vmin.u32 v13, v7  }
0x33: {  	v3 =	vadd.s32 v9, v5;
	v5 =	vmul.u32 $0x8DD9, v10;
	v7 =	vsel vm0, v8, v12;
	[tilespmem:s25+$0x400] =	vst v4;
	s25 =	smov.u32 s26;
	s26 =	smov.u32 s28;
	s28 =	smov.u32 s29  }
0x34: {  	s30 =	sadd.s32 $0x40, s30;
	v8 =	vshrl.u32 v3, $0x10;
	v4 =	vmul.f32 $9.999999740e-06, v11;
	s29 =	smov.u32 s31;
	v7 =	vmul.u32 $0xFFFE7960, v7  }
0x35: {  	v6 =	vmul.u32 $0x6A37, v6;
	_ =	sdelay $0x1  }
0x36: {  	v9 =	vand.u32 $0xFFFF, v3;
	v8 =	vcvt.s32.f32 v8;
	v5 =	vadd.s32 v6, v5  }
0x37: {  	v49 =	vcvt.s32.f32 v9;
	v50 =	vshrl.u32 v5, $0x10  }
0x38: {  	v8 =	vmul.f32 $6.553600000e+04, v8;
	v9 =	vcvt.s32.f32 v50  }
0x39: {  	v10 =	vand.u32 $0xFFFF, v5  }
0x3a: {  	v6 =	vadd.f32 v49, v8;
	v51 =	vcvt.s32.f32 v10;
	v9 =	vmul.f32 $6.553600000e+04, v9  }
0x3b: {  	v52 =	vsub.f32 v4, v0;
	v2 =	vadd.s32 v2, v7;
	v54 =	vtrunc.f32 v4  }
0x3c: {  	vm0 =	vgt.u32 v2, $0xB2D05E00;
	v6 =	vmul.f32 $9.999999740e-06, v6;
	v53 =	vadd.f32 v51, v9  }
0x3d: {  	v59 =	vadd.s32 $0x186A0, v2;
	v55 =	vtrunc.f32 v52;
	v8 =	vcvt.f32.s32 v54  }
0x3e: {  	v56 =	vsub.f32 v6, v0;
	v9 =	vcvt.f32.s32 v55;
	v7 =	vmul.f32 $9.999999740e-06, v53  }
0x3f: {  	vm1 =	vlt.f32 v4, $2.147483650e+09;
	v2 =	vsel vm0, v59, v2;
	v57 =	vtrunc.f32 v6  }
0x40: {  	v10 =	vtrunc.f32 v56;
	v8 =	vsel vm1, v8, v9;
	v11 =	vsub.f32 v7, v0  }
0x41: {  	v4 =	vcvt.f32.s32 v57;
	v58 =	vcvt.f32.s32 v10;
	v8 =	vmul.u32 $0xFFFE7960, v8  }
0x42: {  	vm11 =	vlt.f32 v6, $2.147483650e+09;
	v12 =	vtrunc.f32 v7;
	v11 =	vtrunc.f32 v11  }
0x43: {  	v12 =	vcvt.f32.s32 v12;
	v1 =	vadd.s32 v1, v8;
	v11 =	vcvt.f32.s32 v11  }
0x44: {  	vm12 =	vlt.f32 v7, $2.147483650e+09;
	v4 =	vsel vm11, v4, v58;
	vm13 =	vgt.u32 v1, $0xB2D05E00  }
0x45: {  	v61 =	vadd.s32 $0x186A0, v1;
	v4 =	vmul.u32 $0xFFFE7960, v4;
	v60 =	vsel vm12, v12, v11  }
0x46: {  	v62 =	vadd.s32 $0xFFFE7960, v2;
	v1 =	vsel vm13, v61, v1;
	v6 =	vmul.u32 $0xFFFE7960, v60  }
0x47: {  	v2 =	vmin.u32 v62, v2;
	v7 =	vadd.s32 $0xFFFE7960, v1;
	v3 =	vadd.s32 v3, v4  }
0x48: {  	vm14 =	vgt.u32 v3, $0xB2D05E00;
	v4 =	vadd.s32 $0x186A0, v3;
	v5 =	vadd.s32 v5, v6  }
0x49: {  	v3 =	vsel vm14, v4, v3;
	vm15 =	vgt.u32 v5, $0xB2D05E00;
	v63 =	vadd.s32 $0x186A0, v5  }
0x4a: {  	[tilespmem:s25+$0x400] =	vst v2;
	v1 =	vmin.u32 v7, v1;
	v2 =	vadd.s32 $0xFFFE7960, v3;
	v4 =	vsel vm15, v63, v5  }
0x4b: {  	[tilespmem:s26+$0x400] =	vst v1;
	v1 =	vmin.u32 v2, v3;
	v2 =	vadd.s32 $0xFFFE7960, v4  }
0x4c: {  	[tilespmem:s28+$0x400] =	vst v1;
	v1 =	vmin.u32 v2, v4  }
0x4d: {  	[tilespmem:s29+$0x400] =	vst v1  }
0x4e: {  	[tilespmem:s15], [sflag:$0x1] =	stream.indirect.gather [hbm4b:s2+s13], $0x80, s14, s13, $0xb8;
	[tilespmem:$0x10600] =	vst v63  }
0x4f: {  	_ = 	snop  }
0x50: {  	[tilespmem:s17], [sflag:$0x1] =	stream.indirect.gather [hbm4b:s2+s13], $0x80, s16, s13, $0xb8;
	[tilespmem:$0x10600] =	vst v63  }
0x51: {  	_ = 	snop  }
0x52: {  	[tilespmem:s19], [sflag:$0x1] =	stream.indirect.gather [hbm4b:s2+s13], $0x80, s18, s13, $0xb8;
	[tilespmem:$0x10600] =	vst v63  }
0x53: {  	_ = 	snop  }
0x54: {  	[tilespmem:s21], [sflag:$0x1] =	stream.indirect.gather [hbm4b:s2+s13], $0x80, s20, s13, $0xb8;
	[tilespmem:$0x10600] =	vst v63  }
0x55: {  	_ =	swait.ge [sflag:s22], $0x4000  }
0x56: {  	[sflag:s22] =	ssyncset.done $0x0  }
0x57: {  	[sflag:s22] =	ssyncadd.s32 $0xFFFFC000  }
0x58: {  	[hbm4b:s6+s3] =	stream.linear.scatter [tilespmem:s15], [sflag:$0x2], $0x4000, $0x38;
	[tilespmem:$0x10600] =	vst v63  }
0x59: {  	_ =	swait.ge [sflag:s22], $0x4000  }
0x5a: {  	[sflag:s22] =	ssyncset.done $0x0  }
0x5b: {  	[sflag:s22] =	ssyncadd.s32 $0xFFFFC000  }
0x5c: {  	[hbm4b:s7+s3] =	stream.linear.scatter [tilespmem:s17], [sflag:$0x2], $0x4000, $0x38;
	[tilespmem:$0x10600] =	vst v63  }
0x5d: {  	_ =	swait.ge [sflag:s22], $0x4000  }
0x5e: {  	[sflag:s22] =	ssyncset.done $0x0  }
0x5f: {  	[sflag:s22] =	ssyncadd.s32 $0xFFFFC000  }
0x60: {  	[hbm4b:s8+s3] =	stream.linear.scatter [tilespmem:s19], [sflag:$0x2], $0x4000, $0x38;
	[tilespmem:$0x10600] =	vst v63  }
0x61: {  	_ =	swait.ge [sflag:s22], $0x4000  }
0x62: {  	[sflag:s22] =	ssyncset.done $0x0  }
0x63: {  	[sflag:s22] =	ssyncadd.s32 $0xFFFFC000  }
0x64: {  	[hbm4b:s9+s3] =	stream.linear.scatter [tilespmem:s21], [sflag:$0x2], $0x4000, $0x38;
	[tilespmem:$0x10600] =	vst v63  }
0x65: {  	_ =	swait.ge [sflag:s23], $0x4000  }
0x66: {  	[sflag:s23] =	ssyncset.done $0x0  }
0x67: {  	[sflag:s23] =	ssyncadd.s32 $0xFFFFC000  }
0x68: {  	_ =	swait.ge [sflag:s23], $0x4000  }
0x69: {  	[sflag:s23] =	ssyncset.done $0x0  }
0x6a: {  	s24 =	sadd.s32 $0x1, s24;
	[sflag:s23] =	ssyncadd.s32 $0xFFFFC000  }
0x6b: {  	p0 =	sne.s32 s24, s10;
	_ =	swait.ge [sflag:s23], $0x4000  }
.Ltmp1:
0x6c: {  	[sflag:s23] =	ssyncset.done $0x0;
	(pc) =	sbr.rel @p0 .LBB2_1-.Ltmp1, $4  }
0x6d: {  	[sflag:s23] =	ssyncadd.s32 $0xFFFFC000  }
0x6e: {  	_ =	swait.ge [sflag:s23], $0x4000  }
0x6f: {  	[sflag:s23] =	ssyncset.done $0x0  }
0x70: {  	[sflag:s23] =	ssyncadd.s32 $0xFFFFC000  }
0x71: {  	_ =	sfence.sel $0x180000  }
0x72: {  	[bflag:$0x0] =	sbarrier.arrive $0xFFFF  }
0x73: {  	p0 =	sne.s32 s1, $0x0;
	_ =	strace $0x90000047  }
0x74: {  	s0 =	sadd.s32 @!p0 $0x100000, s0;
	[bflag:$0x2] =	sbarrier.arrive $0xFFFF  }
0x75: {  	[sflag:s0] =	ssyncadd.tile.s32 @!p0 $0x1;
	_ =	shalt  }
.Lfunc_end2:
_tile_overlayer_lowered:
.L_overlay_start_2:
0x76: {  	(tag) =	ssettag $0x2  }
0x77: {  	s0 =	rddreg [dreg:$0x0];
	s2 =	stileid.u32  }
0x78: {  	s1 =	rddreg [dreg:$0x1];
	p0 =	sne.s32 s2, $0x0  }
0x79: {  	s3 =	rddreg [dreg:$0x2];
	[bflag:$0x3] =	sbarrier.arrive $0xFFFF;
	s2 =	simm.s32 @!p0 $0x1C03  }
0x7a: {  	[timem:s3], [sflag:s2] =	dma.local @!p0 [hbm:s0], s1  }
0x7b: {  	s0 =	simm.s32 @!p0 $0x3  }
0x7c: {  	_ =	swait.ge @!p0 [sflag:s0], s1  }
0x7d: {  	s1 =	ssub.s32 @!p0 $0x0, s1;
	[sflag:s0] =	ssyncset.done @!p0 $0x0  }
0x7e: {  	[sflag:s0] =	ssyncadd.s32 @!p0 s1  }
0x7f: {  	[bflag:$0x3] =	sbarrier.arrive $0xFFFF  }
0x80: {  	_ =	shalt  }

</sc_bundles>
